<compile_context>
chip_gen: v7x
topology: tpu7x:2x2x1
jax: 0.10.2.dev20260603
libtpu: 0.0.44.dev20260713+nightly
codegen_flags: <defaults>
</compile_context>

<pallas_src>
import functools

import jax
import jax.numpy as jnp
from jax import lax
from jax.experimental import pallas as pl
from jax.experimental.pallas import tpu as pltpu
from jax.experimental.pallas import tpu_sc as plsc

NUM_SEQ = 16384
T = 50
D = 64
H = 8
B = 4096
S = H * H
ROW = T * D

NC = 2
NS = 16
NW = NC * NS
CHUNK = 32

NB = 1024


def _make_sc_gather(nrows):
    mesh = plsc.VectorSubcoreMesh(core_axis_name="c", subcore_axis_name="s")
    b_per_w = nrows // NW

    @functools.partial(
        pl.kernel,
        mesh=mesh,
        out_type=[
            jax.ShapeDtypeStruct((nrows, ROW), jnp.float32),
            jax.ShapeDtypeStruct((nrows,), jnp.int32),
        ],
        scratch_types=[
            pltpu.VMEM((b_per_w,), jnp.int32),
            pltpu.VMEM((CHUNK, ROW), jnp.float32),
            pltpu.VMEM((b_per_w,), jnp.int32),
            pltpu.SemaphoreType.DMA,
            pltpu.SemaphoreType.DMA,
        ],
    )
    def gather_k(table_hbm, idx_hbm, lens_hbm, y_out, lens_out,
                 idx_v, rows_v, lens_loc, sem_r, sem_l):
        wid = lax.axis_index("s") * NC + lax.axis_index("c")
        base = wid * b_per_w
        pltpu.sync_copy(idx_hbm.at[pl.ds(base, b_per_w)], idx_v)
        cp_l = pltpu.async_copy(lens_hbm.at[idx_v], lens_loc, sem_l)
        cp_l.wait()
        pltpu.sync_copy(lens_loc, lens_out.at[pl.ds(base, b_per_w)])
        for c in range(b_per_w // CHUNK):
            off = base + c * CHUNK
            cp_r = pltpu.async_copy(
                table_hbm.at[idx_v.at[pl.ds(c * CHUNK, CHUNK)]], rows_v, sem_r)
            cp_r.wait()
            pltpu.sync_copy(rows_v, y_out.at[pl.ds(off, CHUNK)])

    return gather_k


def _fwd_body(y_ref, len_ref, K_ref, init_ref, ET2_ref, bias2_ref, out_ref):
    ET2 = ET2_ref[...]
    Km = K_ref[...]
    bias2 = bias2_ref[...]
    lens = len_ref[...]

    def emit(p):
        yp = y_ref[:, 2 * p * D:(2 * p + 2) * D].astype(jnp.bfloat16)
        lb = jnp.dot(yp, ET2, preferred_element_type=jnp.float32) + bias2
        c = jnp.max(lb, axis=-1, keepdims=True)
        return c, jnp.exp(lb - c)

    def trans(alpha):
        return jnp.dot(alpha.astype(jnp.bfloat16), Km,
                       preferred_element_type=jnp.float32)

    c, eb = emit(0)
    alpha = init_ref[...] * eb[:, 0:S]
    ll = c
    act = lens > 1
    alpha = jnp.where(act, trans(alpha) * eb[:, S:2 * S], alpha)
    ll = jnp.where(act, ll + c, ll)
    for p in range(1, T // 2):
        c, eb = emit(p)
        act = lens > 2 * p
        alpha = jnp.where(act, trans(alpha) * eb[:, 0:S], alpha)
        ll = jnp.where(act, ll + c, ll)
        act = lens > 2 * p + 1
        alpha = jnp.where(act, trans(alpha) * eb[:, S:2 * S], alpha)
        ll = jnp.where(act, ll + c, ll)
        if p % 2 == 1:
            s = jnp.sum(alpha, axis=-1, keepdims=True)
            alpha = alpha * (1.0 / s)
            ll = ll + jnp.log(s)
    s = jnp.sum(alpha, axis=-1, keepdims=True)
    out_ref[...] = ll + jnp.log(s)


def _make_tc_compute(nrows, interpret=False):
    return pl.pallas_call(
        _fwd_body,
        grid=(nrows // NB,),
        in_specs=[
            pl.BlockSpec((NB, ROW), lambda i: (i, 0)),
            pl.BlockSpec((NB, 1), lambda i: (i, 0)),
            pl.BlockSpec((S, S), lambda i: (0, 0)),
            pl.BlockSpec((1, S), lambda i: (0, 0)),
            pl.BlockSpec((2 * D, 2 * S), lambda i: (0, 0)),
            pl.BlockSpec((1, 2 * S), lambda i: (0, 0)),
        ],
        out_specs=pl.BlockSpec((NB, 1), lambda i: (i, 0)),
        out_shape=jax.ShapeDtypeStruct((nrows, 1), jnp.float32),
        interpret=interpret,
    )


def kernel(sequences, lengths, mb, mask, probs_w, w_init, probs_x, x_init,
           probs_y):
    eps = 1e-6
    pw = probs_w + eps
    pw = pw / pw.sum(-1, keepdims=True)
    px = probs_x + eps
    px = px / px.sum(-1, keepdims=True)
    pwi = w_init + eps
    pwi = pwi / pwi.sum()
    pxi = x_init + eps
    pxi = pxi / pxi.sum()
    py = jnp.clip(probs_y, eps, 1.0 - eps)
    lpy = jnp.log(py)
    l1m = jnp.log1p(-py)
    ET = (lpy - l1m).reshape(S, D).T
    ET2 = jnp.zeros((2 * D, 2 * S), jnp.float32)
    ET2 = ET2.at[:D, :S].set(ET).at[D:, S:].set(ET).astype(jnp.bfloat16)
    bias = l1m.sum(-1).reshape(1, S)
    bias2 = jnp.concatenate([bias, bias], axis=1)
    Km = (pw[:, None, :, None] * px[None, :, None, :]).reshape(S, S)
    Km = Km.astype(jnp.bfloat16)
    init = (pwi[:, None] * pxi[None, :]).reshape(1, S)

    table = sequences.reshape(NUM_SEQ, ROW)
    y_g, lens_g = _make_sc_gather(B)(table, mb.astype(jnp.int32),
                                     lengths.astype(jnp.int32))
    ll = _make_tc_compute(B)(y_g, lens_g[:, None], Km, init, ET2, bias2)
    return jnp.where(mask, ll[:, 0], 0.0)

# --- scband reference (transcript-rebuilt; emitter-appended) ---
"""Pipeline reference for scband-model2-33097017983662 (READ-ONLY COPY).

The authoritative reference and input builder live on the scoring server;
editing this copy changes nothing except your own understanding.
"""

import jax, jax.numpy as jnp
import numpy as np

NUM_SEQ = 16384; MAX_LEN = 50; DATA_DIM = 64; H = 8; B = 4096; SCALE = 1.0

def setup_inputs(seed: int = 0):
    key = jax.random.key(seed)
    ks = jax.random.split(key, 9)
    sequences = (jax.random.uniform(ks[0], (NUM_SEQ, MAX_LEN, DATA_DIM)) < 0.3).astype(jnp.float32)
    lengths = jax.random.randint(ks[1], (NUM_SEQ,), 1, MAX_LEN + 1).astype(jnp.int32)
    mb = jax.random.randint(ks[2], (B,), 0, NUM_SEQ).astype(jnp.int32)
    mask = jnp.ones((B,), dtype=bool)
    probs_w = jax.random.uniform(ks[3], (H, H))
    w_init = jax.random.uniform(ks[4], (H,))
    probs_x = jax.random.uniform(ks[5], (H, H))
    x_init = jax.random.uniform(ks[6], (H,))
    probs_y = jax.random.uniform(ks[7], (H, H, DATA_DIM))
    return {"sequences": sequences, "lengths": lengths, "mb": mb, "mask": mask,
            "probs_w": probs_w, "w_init": w_init, "probs_x": probs_x,
            "x_init": x_init, "probs_y": probs_y}

def _forward(sequences, probs_w, w_init, probs_x, x_init, probs_y, lengths, mb, mask):
    eps = 1e-6
    pw = (probs_w + eps) / (probs_w + eps).sum(-1, keepdims=True)
    pwi = (w_init + eps) / (w_init + eps).sum()
    px = (probs_x + eps) / (probs_x + eps).sum(-1, keepdims=True)
    pxi = (x_init + eps) / (x_init + eps).sum()
    py = jnp.clip(probs_y, eps, 1.0 - eps)
    # embedding-style gathers: minibatch rows of the sequence corpus and lengths
    y = jnp.take(sequences, mb, axis=0)       # [B, T, D]
    len_mb = jnp.take(lengths, mb, axis=0)    # [B]
    log_py = jnp.log(py); log1m = jnp.log1p(-py)
    # Bernoulli emission log-prob summed over tones for every joint (w, x) state
    logB = jnp.einsum('btd,wxd->btwx', y, log_py - log1m) + log1m.sum(-1)[None, None]
    tmask = jnp.arange(y.shape[1])[None, :] < len_mb[:, None]   # [B, T]
    logB = jnp.where(tmask[:, :, None, None], logB, 0.0)
    log_pw = jnp.log(pw); log_px = jnp.log(px)
    # exact parallel enumeration over the factorial HMM state space (forward algorithm)
    alpha = jnp.log(pwi)[None, :, None] + jnp.log(pxi)[None, None, :] + logB[:, 0]
    def step(alpha, xs):
        logBt, mt = xs
        tmp = jax.nn.logsumexp(alpha[:, :, None, :] + log_pw[None, :, :, None], axis=1)
        new = jax.nn.logsumexp(tmp[:, :, :, None] + log_px[None, None, :, :], axis=2)
        new = new + logBt
        alpha_new = jnp.where(mt[:, None, None], new, alpha)
        return alpha_new, None
    xs = (jnp.swapaxes(logB[:, 1:], 0, 1), jnp.swapaxes(tmask[:, 1:], 0, 1))
    alpha, _ = jax.lax.scan(step, alpha, xs)
    loglik = jax.nn.logsumexp(alpha.reshape(alpha.shape[0], -1), axis=-1) * SCALE
    return jnp.where(mask, loglik, 0.0)

def reference(sequences, lengths, mb, mask, probs_w, w_init, probs_x, x_init, probs_y):
    return _forward(sequences, probs_w, w_init, probs_x, x_init, probs_y, lengths, mb, mask)

if __name__ == "__main__":
    import jax
    _d = setup_inputs()
    print(jax.jit(kernel)(*tuple(_d.values())))

</pallas_src>

<mosaic_0001>
#map = affine_map<(d0, d1) -> (0, 0)>
#map1 = affine_map<(d0, d1) -> (0)>
module attributes {stable_mosaic.version = 14 : i64} {
  func.func @gather_k(%arg0: i32, %arg1: i32, %arg2: memref<16384x3200xf32, #tpu.memory_space<hbm>>, %arg3: memref<4096xi32, #tpu.memory_space<hbm>>, %arg4: memref<16384xi32, #tpu.memory_space<hbm>>, %arg5: memref<4096x3200xf32, #tpu.memory_space<hbm>>, %arg6: memref<4096xi32, #tpu.memory_space<hbm>>, %arg7: memref<128xi32, #tpu.memory_space<vmem>>, %arg8: memref<32x3200xf32, #tpu.memory_space<vmem>>, %arg9: memref<128xi32, #tpu.memory_space<vmem>>, %arg10: memref<!tpu.dma_semaphore, #tpu.memory_space<semaphore_mem>>, %arg11: memref<!tpu.dma_semaphore, #tpu.memory_space<semaphore_mem>>) attributes {dimension_semantics = [#tpu.dimension_semantics<core_parallel>, #tpu.dimension_semantics<subcore_parallel>], iteration_bounds = array<i64: 2, 16>, scalar_prefetch = 0 : i64, scratch_operands = 5 : i64, tpu.core_type = #tpu.core_type<sc_vector_subcore>, window_params = [{transform_indices = #map}, {transform_indices = #map1}, {transform_indices = #map1}, {transform_indices = #map}, {transform_indices = #map1}]} {
    %mul3A = arith.constant 2 : i32
    %mul3A_0 = arith.muli %arg1, %mul3A : i32
    %add3A = arith.addi %mul3A_0, %arg0 : i32
    %mul3A_1 = arith.constant 128 : i32
    %mul3A_2 = arith.muli %add3A, %mul3A_1 : i32
    "tpu.region"() ({
      %run_scoped3A = tpu.sem_alloc : memref<!tpu.dma_semaphore, #tpu.memory_space<semaphore_mem>>
      %dma_start3A_53 = tpu.memref_slice %arg3[%mul3A_2] : memref<4096xi32, #tpu.memory_space<hbm>> -> memref<128xi32, #tpu.memory_space<hbm>>
      %dma_start3A_54 = tpu.memref_slice %arg3[%mul3A_2] : memref<4096xi32, #tpu.memory_space<hbm>> -> memref<128xi32, #tpu.memory_space<hbm>>
      tpu.enqueue_dma source(%dma_start3A_54 : memref<128xi32, #tpu.memory_space<hbm>>) target(%arg7 : memref<128xi32, #tpu.memory_space<vmem>>) target_semaphore(%run_scoped3A : memref<!tpu.dma_semaphore, #tpu.memory_space<semaphore_mem>>)
      %dma_wait3A_55 = tpu.memref_slice %arg3[%mul3A_2] : memref<4096xi32, #tpu.memory_space<hbm>> -> memref<128xi32, #tpu.memory_space<hbm>>
      %dma_wait3A_56 = tpu.memref_slice %arg3[%mul3A_2] : memref<4096xi32, #tpu.memory_space<hbm>> -> memref<128xi32, #tpu.memory_space<hbm>>
      tpu.wait_dma2 semaphore(%run_scoped3A : memref<!tpu.dma_semaphore, #tpu.memory_space<semaphore_mem>>) src(%dma_wait3A_56 : memref<128xi32, #tpu.memory_space<hbm>>) dst(%arg7 : memref<128xi32, #tpu.memory_space<vmem>>)
      tpu.yield
    }) : () -> ()
    %dma_start3A = arith.constant 0 : i32
    %dma_start3A_3 = tpu.memref_slice %arg4[%dma_start3A] : memref<16384xi32, #tpu.memory_space<hbm>> -> memref<16384xi32, #tpu.memory_space<hbm>>
    tpu.enqueue_indirect_dma source(%dma_start3A_3 : memref<16384xi32, #tpu.memory_space<hbm>>) target(%arg9 : memref<128xi32, #tpu.memory_space<vmem>>) offsets(%arg7 : memref<128xi32, #tpu.memory_space<vmem>>) semaphore(%arg11 : memref<!tpu.dma_semaphore, #tpu.memory_space<semaphore_mem>>)
    %dma_wait3A = arith.constant 0 : i32
    %dma_wait3A_4 = tpu.memref_slice %arg4[%dma_wait3A] : memref<16384xi32, #tpu.memory_space<hbm>> -> memref<16384xi32, #tpu.memory_space<hbm>>
    tpu.wait_indirect_dma semaphore(%arg11 : memref<!tpu.dma_semaphore, #tpu.memory_space<semaphore_mem>>) src(%dma_wait3A_4 : memref<16384xi32, #tpu.memory_space<hbm>>) dst(%arg9 : memref<128xi32, #tpu.memory_space<vmem>>)
    "tpu.region"() ({
      %run_scoped3A = tpu.sem_alloc : memref<!tpu.dma_semaphore, #tpu.memory_space<semaphore_mem>>
      %dma_start3A_53 = tpu.memref_slice %arg6[%mul3A_2] : memref<4096xi32, #tpu.memory_space<hbm>> -> memref<128xi32, #tpu.memory_space<hbm>>
      %dma_start3A_54 = tpu.memref_slice %arg6[%mul3A_2] : memref<4096xi32, #tpu.memory_space<hbm>> -> memref<128xi32, #tpu.memory_space<hbm>>
      tpu.enqueue_dma source(%arg9 : memref<128xi32, #tpu.memory_space<vmem>>) target(%dma_start3A_54 : memref<128xi32, #tpu.memory_space<hbm>>) target_semaphore(%run_scoped3A : memref<!tpu.dma_semaphore, #tpu.memory_space<semaphore_mem>>)
      %dma_wait3A_55 = tpu.memref_slice %arg6[%mul3A_2] : memref<4096xi32, #tpu.memory_space<hbm>> -> memref<128xi32, #tpu.memory_space<hbm>>
      %dma_wait3A_56 = tpu.memref_slice %arg6[%mul3A_2] : memref<4096xi32, #tpu.memory_space<hbm>> -> memref<128xi32, #tpu.memory_space<hbm>>
      tpu.wait_dma2 semaphore(%run_scoped3A : memref<!tpu.dma_semaphore, #tpu.memory_space<semaphore_mem>>) src(%arg9 : memref<128xi32, #tpu.memory_space<vmem>>) dst(%dma_wait3A_56 : memref<128xi32, #tpu.memory_space<hbm>>)
      tpu.yield
    }) : () -> ()
    %add3A_5 = arith.constant 0 : i32
    %add3A_6 = arith.addi %mul3A_2, %add3A_5 : i32
    %dma_start3A_7 = arith.constant 0 : i32
    %dma_start3A_8 = tpu.memref_slice %arg7[%dma_start3A_7] : memref<128xi32, #tpu.memory_space<vmem>> -> memref<32xi32, #tpu.memory_space<vmem>>
    %dma_start3A_9 = arith.constant 0 : i32
    %dma_start3A_10 = arith.constant 0 : i32
    %dma_start3A_11 = tpu.memref_slice %arg2[%dma_start3A_9, %dma_start3A_10] : memref<16384x3200xf32, #tpu.memory_space<hbm>> -> memref<16384x3200xf32, #tpu.memory_space<hbm>>
    tpu.enqueue_indirect_dma source(%dma_start3A_11 : memref<16384x3200xf32, #tpu.memory_space<hbm>>) target(%arg8 : memref<32x3200xf32, #tpu.memory_space<vmem>>) offsets(%dma_start3A_8 : memref<32xi32, #tpu.memory_space<vmem>>) semaphore(%arg10 : memref<!tpu.dma_semaphore, #tpu.memory_space<semaphore_mem>>)
    %dma_wait3A_12 = arith.constant 0 : i32
    %dma_wait3A_13 = tpu.memref_slice %arg7[%dma_wait3A_12] : memref<128xi32, #tpu.memory_space<vmem>> -> memref<32xi32, #tpu.memory_space<vmem>>
    %dma_wait3A_14 = arith.constant 0 : i32
    %dma_wait3A_15 = arith.constant 0 : i32
    %dma_wait3A_16 = tpu.memref_slice %arg2[%dma_wait3A_14, %dma_wait3A_15] : memref<16384x3200xf32, #tpu.memory_space<hbm>> -> memref<16384x3200xf32, #tpu.memory_space<hbm>>
    tpu.wait_indirect_dma semaphore(%arg10 : memref<!tpu.dma_semaphore, #tpu.memory_space<semaphore_mem>>) src(%dma_wait3A_16 : memref<16384x3200xf32, #tpu.memory_space<hbm>>) dst(%arg8 : memref<32x3200xf32, #tpu.memory_space<vmem>>)
    "tpu.region"() ({
      %run_scoped3A = tpu.sem_alloc : memref<!tpu.dma_semaphore, #tpu.memory_space<semaphore_mem>>
      %dma_start3A_53 = arith.constant 0 : i32
      %dma_start3A_54 = tpu.memref_slice %arg5[%add3A_6, %dma_start3A_53] : memref<4096x3200xf32, #tpu.memory_space<hbm>> -> memref<32x3200xf32, #tpu.memory_space<hbm>>
      %dma_start3A_55 = arith.constant 0 : i32
      %dma_start3A_56 = tpu.memref_slice %arg5[%add3A_6, %dma_start3A_55] : memref<4096x3200xf32, #tpu.memory_space<hbm>> -> memref<32x3200xf32, #tpu.memory_space<hbm>>
      tpu.enqueue_dma source(%arg8 : memref<32x3200xf32, #tpu.memory_space<vmem>>) target(%dma_start3A_56 : memref<32x3200xf32, #tpu.memory_space<hbm>>) target_semaphore(%run_scoped3A : memref<!tpu.dma_semaphore, #tpu.memory_space<semaphore_mem>>)
      %dma_wait3A_57 = arith.constant 0 : i32
      %dma_wait3A_58 = tpu.memref_slice %arg5[%add3A_6, %dma_wait3A_57] : memref<4096x3200xf32, #tpu.memory_space<hbm>> -> memref<32x3200xf32, #tpu.memory_space<hbm>>
      %dma_wait3A_59 = arith.constant 0 : i32
      %dma_wait3A_60 = tpu.memref_slice %arg5[%add3A_6, %dma_wait3A_59] : memref<4096x3200xf32, #tpu.memory_space<hbm>> -> memref<32x3200xf32, #tpu.memory_space<hbm>>
      tpu.wait_dma2 semaphore(%run_scoped3A : memref<!tpu.dma_semaphore, #tpu.memory_space<semaphore_mem>>) src(%arg8 : memref<32x3200xf32, #tpu.memory_space<vmem>>) dst(%dma_wait3A_60 : memref<32x3200xf32, #tpu.memory_space<hbm>>)
      tpu.yield
    }) : () -> ()
    %add3A_17 = arith.constant 32 : i32
    %add3A_18 = arith.addi %mul3A_2, %add3A_17 : i32
    %dma_start3A_19 = arith.constant 32 : i32
    %dma_start3A_20 = tpu.memref_slice %arg7[%dma_start3A_19] : memref<128xi32, #tpu.memory_space<vmem>> -> memref<32xi32, #tpu.memory_space<vmem>>
    %dma_start3A_21 = arith.constant 0 : i32
    %dma_start3A_22 = arith.constant 0 : i32
    %dma_start3A_23 = tpu.memref_slice %arg2[%dma_start3A_21, %dma_start3A_22] : memref<16384x3200xf32, #tpu.memory_space<hbm>> -> memref<16384x3200xf32, #tpu.memory_space<hbm>>
    tpu.enqueue_indirect_dma source(%dma_start3A_23 : memref<16384x3200xf32, #tpu.memory_space<hbm>>) target(%arg8 : memref<32x3200xf32, #tpu.memory_space<vmem>>) offsets(%dma_start3A_20 : memref<32xi32, #tpu.memory_space<vmem>>) semaphore(%arg10 : memref<!tpu.dma_semaphore, #tpu.memory_space<semaphore_mem>>)
    %dma_wait3A_24 = arith.constant 32 : i32
    %dma_wait3A_25 = tpu.memref_slice %arg7[%dma_wait3A_24] : memref<128xi32, #tpu.memory_space<vmem>> -> memref<32xi32, #tpu.memory_space<vmem>>
    %dma_wait3A_26 = arith.constant 0 : i32
    %dma_wait3A_27 = arith.constant 0 : i32
    %dma_wait3A_28 = tpu.memref_slice %arg2[%dma_wait3A_26, %dma_wait3A_27] : memref<16384x3200xf32, #tpu.memory_space<hbm>> -> memref<16384x3200xf32, #tpu.memory_space<hbm>>
    tpu.wait_indirect_dma semaphore(%arg10 : memref<!tpu.dma_semaphore, #tpu.memory_space<semaphore_mem>>) src(%dma_wait3A_28 : memref<16384x3200xf32, #tpu.memory_space<hbm>>) dst(%arg8 : memref<32x3200xf32, #tpu.memory_space<vmem>>)
    "tpu.region"() ({
      %run_scoped3A = tpu.sem_alloc : memref<!tpu.dma_semaphore, #tpu.memory_space<semaphore_mem>>
      %dma_start3A_53 = arith.constant 0 : i32
      %dma_start3A_54 = tpu.memref_slice %arg5[%add3A_18, %dma_start3A_53] : memref<4096x3200xf32, #tpu.memory_space<hbm>> -> memref<32x3200xf32, #tpu.memory_space<hbm>>
      %dma_start3A_55 = arith.constant 0 : i32
      %dma_start3A_56 = tpu.memref_slice %arg5[%add3A_18, %dma_start3A_55] : memref<4096x3200xf32, #tpu.memory_space<hbm>> -> memref<32x3200xf32, #tpu.memory_space<hbm>>
      tpu.enqueue_dma source(%arg8 : memref<32x3200xf32, #tpu.memory_space<vmem>>) target(%dma_start3A_56 : memref<32x3200xf32, #tpu.memory_space<hbm>>) target_semaphore(%run_scoped3A : memref<!tpu.dma_semaphore, #tpu.memory_space<semaphore_mem>>)
      %dma_wait3A_57 = arith.constant 0 : i32
      %dma_wait3A_58 = tpu.memref_slice %arg5[%add3A_18, %dma_wait3A_57] : memref<4096x3200xf32, #tpu.memory_space<hbm>> -> memref<32x3200xf32, #tpu.memory_space<hbm>>
      %dma_wait3A_59 = arith.constant 0 : i32
      %dma_wait3A_60 = tpu.memref_slice %arg5[%add3A_18, %dma_wait3A_59] : memref<4096x3200xf32, #tpu.memory_space<hbm>> -> memref<32x3200xf32, #tpu.memory_space<hbm>>
      tpu.wait_dma2 semaphore(%run_scoped3A : memref<!tpu.dma_semaphore, #tpu.memory_space<semaphore_mem>>) src(%arg8 : memref<32x3200xf32, #tpu.memory_space<vmem>>) dst(%dma_wait3A_60 : memref<32x3200xf32, #tpu.memory_space<hbm>>)
      tpu.yield
    }) : () -> ()
    %add3A_29 = arith.constant 64 : i32
    %add3A_30 = arith.addi %mul3A_2, %add3A_29 : i32
    %dma_start3A_31 = arith.constant 64 : i32
    %dma_start3A_32 = tpu.memref_slice %arg7[%dma_start3A_31] : memref<128xi32, #tpu.memory_space<vmem>> -> memref<32xi32, #tpu.memory_space<vmem>>
    %dma_start3A_33 = arith.constant 0 : i32
    %dma_start3A_34 = arith.constant 0 : i32
    %dma_start3A_35 = tpu.memref_slice %arg2[%dma_start3A_33, %dma_start3A_34] : memref<16384x3200xf32, #tpu.memory_space<hbm>> -> memref<16384x3200xf32, #tpu.memory_space<hbm>>
    tpu.enqueue_indirect_dma source(%dma_start3A_35 : memref<16384x3200xf32, #tpu.memory_space<hbm>>) target(%arg8 : memref<32x3200xf32, #tpu.memory_space<vmem>>) offsets(%dma_start3A_32 : memref<32xi32, #tpu.memory_space<vmem>>) semaphore(%arg10 : memref<!tpu.dma_semaphore, #tpu.memory_space<semaphore_mem>>)
    %dma_wait3A_36 = arith.constant 64 : i32
    %dma_wait3A_37 = tpu.memref_slice %arg7[%dma_wait3A_36] : memref<128xi32, #tpu.memory_space<vmem>> -> memref<32xi32, #tpu.memory_space<vmem>>
    %dma_wait3A_38 = arith.constant 0 : i32
    %dma_wait3A_39 = arith.constant 0 : i32
    %dma_wait3A_40 = tpu.memref_slice %arg2[%dma_wait3A_38, %dma_wait3A_39] : memref<16384x3200xf32, #tpu.memory_space<hbm>> -> memref<16384x3200xf32, #tpu.memory_space<hbm>>
    tpu.wait_indirect_dma semaphore(%arg10 : memref<!tpu.dma_semaphore, #tpu.memory_space<semaphore_mem>>) src(%dma_wait3A_40 : memref<16384x3200xf32, #tpu.memory_space<hbm>>) dst(%arg8 : memref<32x3200xf32, #tpu.memory_space<vmem>>)
    "tpu.region"() ({
      %run_scoped3A = tpu.sem_alloc : memref<!tpu.dma_semaphore, #tpu.memory_space<semaphore_mem>>
      %dma_start3A_53 = arith.constant 0 : i32
      %dma_start3A_54 = tpu.memref_slice %arg5[%add3A_30, %dma_start3A_53] : memref<4096x3200xf32, #tpu.memory_space<hbm>> -> memref<32x3200xf32, #tpu.memory_space<hbm>>
      %dma_start3A_55 = arith.constant 0 : i32
      %dma_start3A_56 = tpu.memref_slice %arg5[%add3A_30, %dma_start3A_55] : memref<4096x3200xf32, #tpu.memory_space<hbm>> -> memref<32x3200xf32, #tpu.memory_space<hbm>>
      tpu.enqueue_dma source(%arg8 : memref<32x3200xf32, #tpu.memory_space<vmem>>) target(%dma_start3A_56 : memref<32x3200xf32, #tpu.memory_space<hbm>>) target_semaphore(%run_scoped3A : memref<!tpu.dma_semaphore, #tpu.memory_space<semaphore_mem>>)
      %dma_wait3A_57 = arith.constant 0 : i32
      %dma_wait3A_58 = tpu.memref_slice %arg5[%add3A_30, %dma_wait3A_57] : memref<4096x3200xf32, #tpu.memory_space<hbm>> -> memref<32x3200xf32, #tpu.memory_space<hbm>>
      %dma_wait3A_59 = arith.constant 0 : i32
      %dma_wait3A_60 = tpu.memref_slice %arg5[%add3A_30, %dma_wait3A_59] : memref<4096x3200xf32, #tpu.memory_space<hbm>> -> memref<32x3200xf32, #tpu.memory_space<hbm>>
      tpu.wait_dma2 semaphore(%run_scoped3A : memref<!tpu.dma_semaphore, #tpu.memory_space<semaphore_mem>>) src(%arg8 : memref<32x3200xf32, #tpu.memory_space<vmem>>) dst(%dma_wait3A_60 : memref<32x3200xf32, #tpu.memory_space<hbm>>)
      tpu.yield
    }) : () -> ()
    %add3A_41 = arith.constant 96 : i32
    %add3A_42 = arith.addi %mul3A_2, %add3A_41 : i32
    %dma_start3A_43 = arith.constant 96 : i32
    %dma_start3A_44 = tpu.memref_slice %arg7[%dma_start3A_43] : memref<128xi32, #tpu.memory_space<vmem>> -> memref<32xi32, #tpu.memory_space<vmem>>
    %dma_start3A_45 = arith.constant 0 : i32
    %dma_start3A_46 = arith.constant 0 : i32
    %dma_start3A_47 = tpu.memref_slice %arg2[%dma_start3A_45, %dma_start3A_46] : memref<16384x3200xf32, #tpu.memory_space<hbm>> -> memref<16384x3200xf32, #tpu.memory_space<hbm>>
    tpu.enqueue_indirect_dma source(%dma_start3A_47 : memref<16384x3200xf32, #tpu.memory_space<hbm>>) target(%arg8 : memref<32x3200xf32, #tpu.memory_space<vmem>>) offsets(%dma_start3A_44 : memref<32xi32, #tpu.memory_space<vmem>>) semaphore(%arg10 : memref<!tpu.dma_semaphore, #tpu.memory_space<semaphore_mem>>)
    %dma_wait3A_48 = arith.constant 96 : i32
    %dma_wait3A_49 = tpu.memref_slice %arg7[%dma_wait3A_48] : memref<128xi32, #tpu.memory_space<vmem>> -> memref<32xi32, #tpu.memory_space<vmem>>
    %dma_wait3A_50 = arith.constant 0 : i32
    %dma_wait3A_51 = arith.constant 0 : i32
    %dma_wait3A_52 = tpu.memref_slice %arg2[%dma_wait3A_50, %dma_wait3A_51] : memref<16384x3200xf32, #tpu.memory_space<hbm>> -> memref<16384x3200xf32, #tpu.memory_space<hbm>>
    tpu.wait_indirect_dma semaphore(%arg10 : memref<!tpu.dma_semaphore, #tpu.memory_space<semaphore_mem>>) src(%dma_wait3A_52 : memref<16384x3200xf32, #tpu.memory_space<hbm>>) dst(%arg8 : memref<32x3200xf32, #tpu.memory_space<vmem>>)
    "tpu.region"() ({
      %run_scoped3A = tpu.sem_alloc : memref<!tpu.dma_semaphore, #tpu.memory_space<semaphore_mem>>
      %dma_start3A_53 = arith.constant 0 : i32
      %dma_start3A_54 = tpu.memref_slice %arg5[%add3A_42, %dma_start3A_53] : memref<4096x3200xf32, #tpu.memory_space<hbm>> -> memref<32x3200xf32, #tpu.memory_space<hbm>>
      %dma_start3A_55 = arith.constant 0 : i32
      %dma_start3A_56 = tpu.memref_slice %arg5[%add3A_42, %dma_start3A_55] : memref<4096x3200xf32, #tpu.memory_space<hbm>> -> memref<32x3200xf32, #tpu.memory_space<hbm>>
      tpu.enqueue_dma source(%arg8 : memref<32x3200xf32, #tpu.memory_space<vmem>>) target(%dma_start3A_56 : memref<32x3200xf32, #tpu.memory_space<hbm>>) target_semaphore(%run_scoped3A : memref<!tpu.dma_semaphore, #tpu.memory_space<semaphore_mem>>)
      %dma_wait3A_57 = arith.constant 0 : i32
      %dma_wait3A_58 = tpu.memref_slice %arg5[%add3A_42, %dma_wait3A_57] : memref<4096x3200xf32, #tpu.memory_space<hbm>> -> memref<32x3200xf32, #tpu.memory_space<hbm>>
      %dma_wait3A_59 = arith.constant 0 : i32
      %dma_wait3A_60 = tpu.memref_slice %arg5[%add3A_42, %dma_wait3A_59] : memref<4096x3200xf32, #tpu.memory_space<hbm>> -> memref<32x3200xf32, #tpu.memory_space<hbm>>
      tpu.wait_dma2 semaphore(%run_scoped3A : memref<!tpu.dma_semaphore, #tpu.memory_space<semaphore_mem>>) src(%arg8 : memref<32x3200xf32, #tpu.memory_space<vmem>>) dst(%dma_wait3A_60 : memref<32x3200xf32, #tpu.memory_space<hbm>>)
      tpu.yield
    }) : () -> ()
    return
  }
}

module attributes {stable_mosaic.version = 14 : i64} {
  func.func @_fwd_body(%arg0: i32, %arg1: memref<1024x3200xf32, #tpu.memory_space<vmem>>, %arg2: memref<1024x1xi32, #tpu.memory_space<vmem>>, %arg3: memref<64x64xbf16, #tpu.memory_space<vmem>>, %arg4: memref<1x64xf32, #tpu.memory_space<vmem>>, %arg5: memref<128x128xbf16, #tpu.memory_space<vmem>>, %arg6: memref<1x128xf32, #tpu.memory_space<vmem>>, %arg7: memref<1024x1xf32, #tpu.memory_space<vmem>>) attributes {dimension_semantics = [#tpu.dimension_semantics<arbitrary>], iteration_bounds = array<i64: 4>, scalar_prefetch = 0 : i64, scratch_operands = 0 : i64, tpu.core_type = #tpu.core_type<tc>, window_params = [{transform_indices = @transform_0, window_bounds = array<i64: 1024, 3200>}, {transform_indices = @transform_1, window_bounds = array<i64: 1024, 1>}, {pipeline_mode = #tpu.pipeline_mode<synchronous>, transform_indices = @transform_2, window_bounds = array<i64: 64, 64>}, {pipeline_mode = #tpu.pipeline_mode<synchronous>, transform_indices = @transform_3, window_bounds = array<i64: 1, 64>}, {pipeline_mode = #tpu.pipeline_mode<synchronous>, transform_indices = @transform_4, window_bounds = array<i64: 128, 128>}, {pipeline_mode = #tpu.pipeline_mode<synchronous>, transform_indices = @transform_5, window_bounds = array<i64: 1, 128>}, {transform_indices = @transform_6, window_bounds = array<i64: 1024, 1>}]} {
    %get3A = arith.constant 0 : index
    %get3A_0 = arith.constant 0 : index
    %get3A_1 = vector.load %arg5[%get3A, %get3A_0] : memref<128x128xbf16, #tpu.memory_space<vmem>>, vector<128x128xbf16>
    %get3A_2 = arith.constant 0 : index
    %get3A_3 = arith.constant 0 : index
    %get3A_4 = vector.load %arg3[%get3A_2, %get3A_3] : memref<64x64xbf16, #tpu.memory_space<vmem>>, vector<64x64xbf16>
    %get3A_5 = arith.constant 0 : index
    %get3A_6 = arith.constant 0 : index
    %get3A_7 = vector.load %arg6[%get3A_5, %get3A_6] : memref<1x128xf32, #tpu.memory_space<vmem>>, vector<1x128xf32>
    %get3A_8 = arith.constant 0 : index
    %get3A_9 = arith.constant 0 : index
    %get3A_10 = vector.load %arg2[%get3A_8, %get3A_9] : memref<1024x1xi32, #tpu.memory_space<vmem>>, vector<1024x1xi32>
    %get3A_11 = arith.constant 0 : index
    %get3A_12 = arith.constant 0 : index
    %get3A_13 = vector.load %arg1[%get3A_11, %get3A_12] : memref<1024x3200xf32, #tpu.memory_space<vmem>>, vector<1024x128xf32>
    %convert_element_type3A = arith.truncf %get3A_13 : vector<1024x128xf32> to vector<1024x128xbf16>
    %dot_general3A = arith.constant dense<0.000000e+00> : vector<1024x128xf32>
    %dot_general3A_14 = tpu.matmul %convert_element_type3A, %get3A_1, %dot_general3A {dimension_numbers = #tpu.dot_dimension_numbers<[1], [0], [0], [1], [0, 0, 1, 1], [], []>, transpose_lhs_hint = false} : vector<1024x128xbf16>, vector<128x128xbf16>, vector<1024x128xf32> -> vector<1024x128xf32>
    %add3A = vector.broadcast %get3A_7 : vector<1x128xf32> to vector<1024x128xf32>
    %add3A_15 = arith.addf %dot_general3A_14, %add3A : vector<1024x128xf32>
    %reduce_max3A = arith.constant dense<0xFF800000> : vector<1024xf32>
    %reduce_max3A_16 = vector.multi_reduction <maximumf>, %add3A_15, %reduce_max3A [1] : vector<1024x128xf32> to vector<1024xf32>
    %broadcast_in_dim3A = vector.shape_cast %reduce_max3A_16 : vector<1024xf32> to vector<1024x1xf32>
    %sub3A = vector.broadcast %broadcast_in_dim3A : vector<1024x1xf32> to vector<1024x128xf32>
    %sub3A_17 = arith.subf %add3A_15, %sub3A : vector<1024x128xf32>
    %exp3A = math.exp %sub3A_17 : vector<1024x128xf32>
    %get3A_18 = arith.constant 0 : index
    %get3A_19 = arith.constant 0 : index
    %get3A_20 = vector.load %arg4[%get3A_18, %get3A_19] : memref<1x64xf32, #tpu.memory_space<vmem>>, vector<1x64xf32>
    %slice3A = vector.extract_strided_slice %exp3A {offsets = [0, 0], sizes = [1024, 64], strides = [1, 1]} : vector<1024x128xf32> to vector<1024x64xf32>
    %mul3A = vector.broadcast %get3A_20 : vector<1x64xf32> to vector<1024x64xf32>
    %mul3A_21 = arith.mulf %mul3A, %slice3A : vector<1024x64xf32>
    %gt3A = arith.constant 1 : i32
    %gt3A_22 = vector.broadcast %gt3A : i32 to vector<1024x1xi32>
    %gt3A_23 = arith.cmpi sgt, %get3A_10, %gt3A_22 : vector<1024x1xi32>
    %convert_element_type3A_24 = arith.truncf %mul3A_21 : vector<1024x64xf32> to vector<1024x64xbf16>
    %dot_general3A_25 = arith.constant dense<0.000000e+00> : vector<1024x64xf32>
    %dot_general3A_26 = tpu.matmul %convert_element_type3A_24, %get3A_4, %dot_general3A_25 {dimension_numbers = #tpu.dot_dimension_numbers<[1], [0], [0], [1], [0, 0, 1, 1], [], []>, transpose_lhs_hint = false} : vector<1024x64xbf16>, vector<64x64xbf16>, vector<1024x64xf32> -> vector<1024x64xf32>
    %slice3A_27 = vector.extract_strided_slice %exp3A {offsets = [0, 64], sizes = [1024, 64], strides = [1, 1]} : vector<1024x128xf32> to vector<1024x64xf32>
    %mul3A_28 = arith.mulf %dot_general3A_26, %slice3A_27 : vector<1024x64xf32>
    %broadcast_in_dim3A_29 = vector.shape_cast %gt3A_23 : vector<1024x1xi1> to vector<1024x1xi1>
    %broadcast_in_dim3A_30 = vector.broadcast %broadcast_in_dim3A_29 : vector<1024x1xi1> to vector<1024x64xi1>
    %select_n3A = arith.select %broadcast_in_dim3A_30, %mul3A_28, %mul3A_21 : vector<1024x64xi1>, vector<1024x64xf32>
    %add3A_31 = arith.addf %broadcast_in_dim3A, %broadcast_in_dim3A : vector<1024x1xf32>
    %select_n3A_32 = arith.select %gt3A_23, %add3A_31, %broadcast_in_dim3A : vector<1024x1xi1>, vector<1024x1xf32>
    %get3A_33 = arith.constant 0 : index
    %get3A_34 = arith.constant 128 : index
    %get3A_35 = vector.load %arg1[%get3A_33, %get3A_34] : memref<1024x3200xf32, #tpu.memory_space<vmem>>, vector<1024x128xf32>
    %convert_element_type3A_36 = arith.truncf %get3A_35 : vector<1024x128xf32> to vector<1024x128xbf16>
    %dot_general3A_37 = arith.constant dense<0.000000e+00> : vector<1024x128xf32>
    %dot_general3A_38 = tpu.matmul %convert_element_type3A_36, %get3A_1, %dot_general3A_37 {dimension_numbers = #tpu.dot_dimension_numbers<[1], [0], [0], [1], [0, 0, 1, 1], [], []>, transpose_lhs_hint = false} : vector<1024x128xbf16>, vector<128x128xbf16>, vector<1024x128xf32> -> vector<1024x128xf32>
    %add3A_39 = vector.broadcast %get3A_7 : vector<1x128xf32> to vector<1024x128xf32>
    %add3A_40 = arith.addf %dot_general3A_38, %add3A_39 : vector<1024x128xf32>
    %reduce_max3A_41 = arith.constant dense<0xFF800000> : vector<1024xf32>
    %reduce_max3A_42 = vector.multi_reduction <maximumf>, %add3A_40, %reduce_max3A_41 [1] : vector<1024x128xf32> to vector<1024xf32>
    %broadcast_in_dim3A_43 = vector.shape_cast %reduce_max3A_42 : vector<1024xf32> to vector<1024x1xf32>
    %sub3A_44 = vector.broadcast %broadcast_in_dim3A_43 : vector<1024x1xf32> to vector<1024x128xf32>
    %sub3A_45 = arith.subf %add3A_40, %sub3A_44 : vector<1024x128xf32>
    %exp3A_46 = math.exp %sub3A_45 : vector<1024x128xf32>
    %gt3A_47 = arith.constant 2 : i32
    %gt3A_48 = vector.broadcast %gt3A_47 : i32 to vector<1024x1xi32>
    %gt3A_49 = arith.cmpi sgt, %get3A_10, %gt3A_48 : vector<1024x1xi32>
    %convert_element_type3A_50 = arith.truncf %select_n3A : vector<1024x64xf32> to vector<1024x64xbf16>
    %dot_general3A_51 = arith.constant dense<0.000000e+00> : vector<1024x64xf32>
    %dot_general3A_52 = tpu.matmul %convert_element_type3A_50, %get3A_4, %dot_general3A_51 {dimension_numbers = #tpu.dot_dimension_numbers<[1], [0], [0], [1], [0, 0, 1, 1], [], []>, transpose_lhs_hint = false} : vector<1024x64xbf16>, vector<64x64xbf16>, vector<1024x64xf32> -> vector<1024x64xf32>
    %slice3A_53 = vector.extract_strided_slice %exp3A_46 {offsets = [0, 0], sizes = [1024, 64], strides = [1, 1]} : vector<1024x128xf32> to vector<1024x64xf32>
    %mul3A_54 = arith.mulf %dot_general3A_52, %slice3A_53 : vector<1024x64xf32>
    %broadcast_in_dim3A_55 = vector.shape_cast %gt3A_49 : vector<1024x1xi1> to vector<1024x1xi1>
    %broadcast_in_dim3A_56 = vector.broadcast %broadcast_in_dim3A_55 : vector<1024x1xi1> to vector<1024x64xi1>
    %select_n3A_57 = arith.select %broadcast_in_dim3A_56, %mul3A_54, %select_n3A : vector<1024x64xi1>, vector<1024x64xf32>
    %add3A_58 = arith.addf %select_n3A_32, %broadcast_in_dim3A_43 : vector<1024x1xf32>
    %select_n3A_59 = arith.select %gt3A_49, %add3A_58, %select_n3A_32 : vector<1024x1xi1>, vector<1024x1xf32>
    %gt3A_60 = arith.constant 3 : i32
    %gt3A_61 = vector.broadcast %gt3A_60 : i32 to vector<1024x1xi32>
    %gt3A_62 = arith.cmpi sgt, %get3A_10, %gt3A_61 : vector<1024x1xi32>
    %convert_element_type3A_63 = arith.truncf %select_n3A_57 : vector<1024x64xf32> to vector<1024x64xbf16>
    %dot_general3A_64 = arith.constant dense<0.000000e+00> : vector<1024x64xf32>
    %dot_general3A_65 = tpu.matmul %convert_element_type3A_63, %get3A_4, %dot_general3A_64 {dimension_numbers = #tpu.dot_dimension_numbers<[1], [0], [0], [1], [0, 0, 1, 1], [], []>, transpose_lhs_hint = false} : vector<1024x64xbf16>, vector<64x64xbf16>, vector<1024x64xf32> -> vector<1024x64xf32>
    %slice3A_66 = vector.extract_strided_slice %exp3A_46 {offsets = [0, 64], sizes = [1024, 64], strides = [1, 1]} : vector<1024x128xf32> to vector<1024x64xf32>
    %mul3A_67 = arith.mulf %dot_general3A_65, %slice3A_66 : vector<1024x64xf32>
    %broadcast_in_dim3A_68 = vector.shape_cast %gt3A_62 : vector<1024x1xi1> to vector<1024x1xi1>
    %broadcast_in_dim3A_69 = vector.broadcast %broadcast_in_dim3A_68 : vector<1024x1xi1> to vector<1024x64xi1>
    %select_n3A_70 = arith.select %broadcast_in_dim3A_69, %mul3A_67, %select_n3A_57 : vector<1024x64xi1>, vector<1024x64xf32>
    %add3A_71 = arith.addf %select_n3A_59, %broadcast_in_dim3A_43 : vector<1024x1xf32>
    %select_n3A_72 = arith.select %gt3A_62, %add3A_71, %select_n3A_59 : vector<1024x1xi1>, vector<1024x1xf32>
    %reduce_sum3A = arith.constant dense<0.000000e+00> : vector<1024xf32>
    %reduce_sum3A_73 = vector.multi_reduction <add>, %select_n3A_70, %reduce_sum3A [1] : vector<1024x64xf32> to vector<1024xf32>
    %broadcast_in_dim3A_74 = vector.shape_cast %reduce_sum3A_73 : vector<1024xf32> to vector<1024x1xf32>
    %div3A = arith.constant 1.000000e+00 : f32
    %div3A_75 = vector.broadcast %div3A : f32 to vector<1024x1xf32>
    %div3A_76 = arith.divf %div3A_75, %broadcast_in_dim3A_74 : vector<1024x1xf32>
    %mul3A_77 = vector.broadcast %div3A_76 : vector<1024x1xf32> to vector<1024x64xf32>
    %mul3A_78 = arith.mulf %select_n3A_70, %mul3A_77 : vector<1024x64xf32>
    %log3A = math.log %broadcast_in_dim3A_74 : vector<1024x1xf32>
    %add3A_79 = arith.addf %select_n3A_72, %log3A : vector<1024x1xf32>
    %get3A_80 = arith.constant 0 : index
    %get3A_81 = arith.constant 256 : index
    %get3A_82 = vector.load %arg1[%get3A_80, %get3A_81] : memref<1024x3200xf32, #tpu.memory_space<vmem>>, vector<1024x128xf32>
    %convert_element_type3A_83 = arith.truncf %get3A_82 : vector<1024x128xf32> to vector<1024x128xbf16>
    %dot_general3A_84 = arith.constant dense<0.000000e+00> : vector<1024x128xf32>
    %dot_general3A_85 = tpu.matmul %convert_element_type3A_83, %get3A_1, %dot_general3A_84 {dimension_numbers = #tpu.dot_dimension_numbers<[1], [0], [0], [1], [0, 0, 1, 1], [], []>, transpose_lhs_hint = false} : vector<1024x128xbf16>, vector<128x128xbf16>, vector<1024x128xf32> -> vector<1024x128xf32>
    %add3A_86 = vector.broadcast %get3A_7 : vector<1x128xf32> to vector<1024x128xf32>
    %add3A_87 = arith.addf %dot_general3A_85, %add3A_86 : vector<1024x128xf32>
    %reduce_max3A_88 = arith.constant dense<0xFF800000> : vector<1024xf32>
    %reduce_max3A_89 = vector.multi_reduction <maximumf>, %add3A_87, %reduce_max3A_88 [1] : vector<1024x128xf32> to vector<1024xf32>
    %broadcast_in_dim3A_90 = vector.shape_cast %reduce_max3A_89 : vector<1024xf32> to vector<1024x1xf32>
    %sub3A_91 = vector.broadcast %broadcast_in_dim3A_90 : vector<1024x1xf32> to vector<1024x128xf32>
    %sub3A_92 = arith.subf %add3A_87, %sub3A_91 : vector<1024x128xf32>
    %exp3A_93 = math.exp %sub3A_92 : vector<1024x128xf32>
    %gt3A_94 = arith.constant 4 : i32
    %gt3A_95 = vector.broadcast %gt3A_94 : i32 to vector<1024x1xi32>
    %gt3A_96 = arith.cmpi sgt, %get3A_10, %gt3A_95 : vector<1024x1xi32>
    %convert_element_type3A_97 = arith.truncf %mul3A_78 : vector<1024x64xf32> to vector<1024x64xbf16>
    %dot_general3A_98 = arith.constant dense<0.000000e+00> : vector<1024x64xf32>
    %dot_general3A_99 = tpu.matmul %convert_element_type3A_97, %get3A_4, %dot_general3A_98 {dimension_numbers = #tpu.dot_dimension_numbers<[1], [0], [0], [1], [0, 0, 1, 1], [], []>, transpose_lhs_hint = false} : vector<1024x64xbf16>, vector<64x64xbf16>, vector<1024x64xf32> -> vector<1024x64xf32>
    %slice3A_100 = vector.extract_strided_slice %exp3A_93 {offsets = [0, 0], sizes = [1024, 64], strides = [1, 1]} : vector<1024x128xf32> to vector<1024x64xf32>
    %mul3A_101 = arith.mulf %dot_general3A_99, %slice3A_100 : vector<1024x64xf32>
    %broadcast_in_dim3A_102 = vector.shape_cast %gt3A_96 : vector<1024x1xi1> to vector<1024x1xi1>
    %broadcast_in_dim3A_103 = vector.broadcast %broadcast_in_dim3A_102 : vector<1024x1xi1> to vector<1024x64xi1>
    %select_n3A_104 = arith.select %broadcast_in_dim3A_103, %mul3A_101, %mul3A_78 : vector<1024x64xi1>, vector<1024x64xf32>
    %add3A_105 = arith.addf %add3A_79, %broadcast_in_dim3A_90 : vector<1024x1xf32>
    %select_n3A_106 = arith.select %gt3A_96, %add3A_105, %add3A_79 : vector<1024x1xi1>, vector<1024x1xf32>
    %gt3A_107 = arith.constant 5 : i32
    %gt3A_108 = vector.broadcast %gt3A_107 : i32 to vector<1024x1xi32>
    %gt3A_109 = arith.cmpi sgt, %get3A_10, %gt3A_108 : vector<1024x1xi32>
    %convert_element_type3A_110 = arith.truncf %select_n3A_104 : vector<1024x64xf32> to vector<1024x64xbf16>
    %dot_general3A_111 = arith.constant dense<0.000000e+00> : vector<1024x64xf32>
    %dot_general3A_112 = tpu.matmul %convert_element_type3A_110, %get3A_4, %dot_general3A_111 {dimension_numbers = #tpu.dot_dimension_numbers<[1], [0], [0], [1], [0, 0, 1, 1], [], []>, transpose_lhs_hint = false} : vector<1024x64xbf16>, vector<64x64xbf16>, vector<1024x64xf32> -> vector<1024x64xf32>
    %slice3A_113 = vector.extract_strided_slice %exp3A_93 {offsets = [0, 64], sizes = [1024, 64], strides = [1, 1]} : vector<1024x128xf32> to vector<1024x64xf32>
    %mul3A_114 = arith.mulf %dot_general3A_112, %slice3A_113 : vector<1024x64xf32>
    %broadcast_in_dim3A_115 = vector.shape_cast %gt3A_109 : vector<1024x1xi1> to vector<1024x1xi1>
    %broadcast_in_dim3A_116 = vector.broadcast %broadcast_in_dim3A_115 : vector<1024x1xi1> to vector<1024x64xi1>
    %select_n3A_117 = arith.select %broadcast_in_dim3A_116, %mul3A_114, %select_n3A_104 : vector<1024x64xi1>, vector<1024x64xf32>
    %add3A_118 = arith.addf %select_n3A_106, %broadcast_in_dim3A_90 : vector<1024x1xf32>
    %select_n3A_119 = arith.select %gt3A_109, %add3A_118, %select_n3A_106 : vector<1024x1xi1>, vector<1024x1xf32>
    %get3A_120 = arith.constant 0 : index
    %get3A_121 = arith.constant 384 : index
    %get3A_122 = vector.load %arg1[%get3A_120, %get3A_121] : memref<1024x3200xf32, #tpu.memory_space<vmem>>, vector<1024x128xf32>
    %convert_element_type3A_123 = arith.truncf %get3A_122 : vector<1024x128xf32> to vector<1024x128xbf16>
    %dot_general3A_124 = arith.constant dense<0.000000e+00> : vector<1024x128xf32>
    %dot_general3A_125 = tpu.matmul %convert_element_type3A_123, %get3A_1, %dot_general3A_124 {dimension_numbers = #tpu.dot_dimension_numbers<[1], [0], [0], [1], [0, 0, 1, 1], [], []>, transpose_lhs_hint = false} : vector<1024x128xbf16>, vector<128x128xbf16>, vector<1024x128xf32> -> vector<1024x128xf32>
    %add3A_126 = vector.broadcast %get3A_7 : vector<1x128xf32> to vector<1024x128xf32>
    %add3A_127 = arith.addf %dot_general3A_125, %add3A_126 : vector<1024x128xf32>
    %reduce_max3A_128 = arith.constant dense<0xFF800000> : vector<1024xf32>
    %reduce_max3A_129 = vector.multi_reduction <maximumf>, %add3A_127, %reduce_max3A_128 [1] : vector<1024x128xf32> to vector<1024xf32>
    %broadcast_in_dim3A_130 = vector.shape_cast %reduce_max3A_129 : vector<1024xf32> to vector<1024x1xf32>
    %sub3A_131 = vector.broadcast %broadcast_in_dim3A_130 : vector<1024x1xf32> to vector<1024x128xf32>
    %sub3A_132 = arith.subf %add3A_127, %sub3A_131 : vector<1024x128xf32>
    %exp3A_133 = math.exp %sub3A_132 : vector<1024x128xf32>
    %gt3A_134 = arith.constant 6 : i32
    %gt3A_135 = vector.broadcast %gt3A_134 : i32 to vector<1024x1xi32>
    %gt3A_136 = arith.cmpi sgt, %get3A_10, %gt3A_135 : vector<1024x1xi32>
    %convert_element_type3A_137 = arith.truncf %select_n3A_117 : vector<1024x64xf32> to vector<1024x64xbf16>
    %dot_general3A_138 = arith.constant dense<0.000000e+00> : vector<1024x64xf32>
    %dot_general3A_139 = tpu.matmul %convert_element_type3A_137, %get3A_4, %dot_general3A_138 {dimension_numbers = #tpu.dot_dimension_numbers<[1], [0], [0], [1], [0, 0, 1, 1], [], []>, transpose_lhs_hint = false} : vector<1024x64xbf16>, vector<64x64xbf16>, vector<1024x64xf32> -> vector<1024x64xf32>
    %slice3A_140 = vector.extract_strided_slice %exp3A_133 {offsets = [0, 0], sizes = [1024, 64], strides = [1, 1]} : vector<1024x128xf32> to vector<1024x64xf32>
    %mul3A_141 = arith.mulf %dot_general3A_139, %slice3A_140 : vector<1024x64xf32>
    %broadcast_in_dim3A_142 = vector.shape_cast %gt3A_136 : vector<1024x1xi1> to vector<1024x1xi1>
    %broadcast_in_dim3A_143 = vector.broadcast %broadcast_in_dim3A_142 : vector<1024x1xi1> to vector<1024x64xi1>
    %select_n3A_144 = arith.select %broadcast_in_dim3A_143, %mul3A_141, %select_n3A_117 : vector<1024x64xi1>, vector<1024x64xf32>
    %add3A_145 = arith.addf %select_n3A_119, %broadcast_in_dim3A_130 : vector<1024x1xf32>
    %select_n3A_146 = arith.select %gt3A_136, %add3A_145, %select_n3A_119 : vector<1024x1xi1>, vector<1024x1xf32>
    %gt3A_147 = arith.constant 7 : i32
    %gt3A_148 = vector.broadcast %gt3A_147 : i32 to vector<1024x1xi32>
    %gt3A_149 = arith.cmpi sgt, %get3A_10, %gt3A_148 : vector<1024x1xi32>
    %convert_element_type3A_150 = arith.truncf %select_n3A_144 : vector<1024x64xf32> to vector<1024x64xbf16>
    %dot_general3A_151 = arith.constant dense<0.000000e+00> : vector<1024x64xf32>
    %dot_general3A_152 = tpu.matmul %convert_element_type3A_150, %get3A_4, %dot_general3A_151 {dimension_numbers = #tpu.dot_dimension_numbers<[1], [0], [0], [1], [0, 0, 1, 1], [], []>, transpose_lhs_hint = false} : vector<1024x64xbf16>, vector<64x64xbf16>, vector<1024x64xf32> -> vector<1024x64xf32>
    %slice3A_153 = vector.extract_strided_slice %exp3A_133 {offsets = [0, 64], sizes = [1024, 64], strides = [1, 1]} : vector<1024x128xf32> to vector<1024x64xf32>
    %mul3A_154 = arith.mulf %dot_general3A_152, %slice3A_153 : vector<1024x64xf32>
    %broadcast_in_dim3A_155 = vector.shape_cast %gt3A_149 : vector<1024x1xi1> to vector<1024x1xi1>
    %broadcast_in_dim3A_156 = vector.broadcast %broadcast_in_dim3A_155 : vector<1024x1xi1> to vector<1024x64xi1>
    %select_n3A_157 = arith.select %broadcast_in_dim3A_156, %mul3A_154, %select_n3A_144 : vector<1024x64xi1>, vector<1024x64xf32>
    %add3A_158 = arith.addf %select_n3A_146, %broadcast_in_dim3A_130 : vector<1024x1xf32>
    %select_n3A_159 = arith.select %gt3A_149, %add3A_158, %select_n3A_146 : vector<1024x1xi1>, vector<1024x1xf32>
    %reduce_sum3A_160 = arith.constant dense<0.000000e+00> : vector<1024xf32>
    %reduce_sum3A_161 = vector.multi_reduction <add>, %select_n3A_157, %reduce_sum3A_160 [1] : vector<1024x64xf32> to vector<1024xf32>
    %broadcast_in_dim3A_162 = vector.shape_cast %reduce_sum3A_161 : vector<1024xf32> to vector<1024x1xf32>
    %div3A_163 = arith.constant 1.000000e+00 : f32
    %div3A_164 = vector.broadcast %div3A_163 : f32 to vector<1024x1xf32>
    %div3A_165 = arith.divf %div3A_164, %broadcast_in_dim3A_162 : vector<1024x1xf32>
    %mul3A_166 = vector.broadcast %div3A_165 : vector<1024x1xf32> to vector<1024x64xf32>
    %mul3A_167 = arith.mulf %select_n3A_157, %mul3A_166 : vector<1024x64xf32>
    %log3A_168 = math.log %broadcast_in_dim3A_162 : vector<1024x1xf32>
    %add3A_169 = arith.addf %select_n3A_159, %log3A_168 : vector<1024x1xf32>
    %get3A_170 = arith.constant 0 : index
    %get3A_171 = arith.constant 512 : index
    %get3A_172 = vector.load %arg1[%get3A_170, %get3A_171] : memref<1024x3200xf32, #tpu.memory_space<vmem>>, vector<1024x128xf32>
    %convert_element_type3A_173 = arith.truncf %get3A_172 : vector<1024x128xf32> to vector<1024x128xbf16>
    %dot_general3A_174 = arith.constant dense<0.000000e+00> : vector<1024x128xf32>
    %dot_general3A_175 = tpu.matmul %convert_element_type3A_173, %get3A_1, %dot_general3A_174 {dimension_numbers = #tpu.dot_dimension_numbers<[1], [0], [0], [1], [0, 0, 1, 1], [], []>, transpose_lhs_hint = false} : vector<1024x128xbf16>, vector<128x128xbf16>, vector<1024x128xf32> -> vector<1024x128xf32>
    %add3A_176 = vector.broadcast %get3A_7 : vector<1x128xf32> to vector<1024x128xf32>
    %add3A_177 = arith.addf %dot_general3A_175, %add3A_176 : vector<1024x128xf32>
    %reduce_max3A_178 = arith.constant dense<0xFF800000> : vector<1024xf32>
    %reduce_max3A_179 = vector.multi_reduction <maximumf>, %add3A_177, %reduce_max3A_178 [1] : vector<1024x128xf32> to vector<1024xf32>
    %broadcast_in_dim3A_180 = vector.shape_cast %reduce_max3A_179 : vector<1024xf32> to vector<1024x1xf32>
    %sub3A_181 = vector.broadcast %broadcast_in_dim3A_180 : vector<1024x1xf32> to vector<1024x128xf32>
    %sub3A_182 = arith.subf %add3A_177, %sub3A_181 : vector<1024x128xf32>
    %exp3A_183 = math.exp %sub3A_182 : vector<1024x128xf32>
    %gt3A_184 = arith.constant 8 : i32
    %gt3A_185 = vector.broadcast %gt3A_184 : i32 to vector<1024x1xi32>
    %gt3A_186 = arith.cmpi sgt, %get3A_10, %gt3A_185 : vector<1024x1xi32>
    %convert_element_type3A_187 = arith.truncf %mul3A_167 : vector<1024x64xf32> to vector<1024x64xbf16>
    %dot_general3A_188 = arith.constant dense<0.000000e+00> : vector<1024x64xf32>
    %dot_general3A_189 = tpu.matmul %convert_element_type3A_187, %get3A_4, %dot_general3A_188 {dimension_numbers = #tpu.dot_dimension_numbers<[1], [0], [0], [1], [0, 0, 1, 1], [], []>, transpose_lhs_hint = false} : vector<1024x64xbf16>, vector<64x64xbf16>, vector<1024x64xf32> -> vector<1024x64xf32>
    %slice3A_190 = vector.extract_strided_slice %exp3A_183 {offsets = [0, 0], sizes = [1024, 64], strides = [1, 1]} : vector<1024x128xf32> to vector<1024x64xf32>
    %mul3A_191 = arith.mulf %dot_general3A_189, %slice3A_190 : vector<1024x64xf32>
    %broadcast_in_dim3A_192 = vector.shape_cast %gt3A_186 : vector<1024x1xi1> to vector<1024x1xi1>
    %broadcast_in_dim3A_193 = vector.broadcast %broadcast_in_dim3A_192 : vector<1024x1xi1> to vector<1024x64xi1>
    %select_n3A_194 = arith.select %broadcast_in_dim3A_193, %mul3A_191, %mul3A_167 : vector<1024x64xi1>, vector<1024x64xf32>
    %add3A_195 = arith.addf %add3A_169, %broadcast_in_dim3A_180 : vector<1024x1xf32>
    %select_n3A_196 = arith.select %gt3A_186, %add3A_195, %add3A_169 : vector<1024x1xi1>, vector<1024x1xf32>
    %gt3A_197 = arith.constant 9 : i32
    %gt3A_198 = vector.broadcast %gt3A_197 : i32 to vector<1024x1xi32>
    %gt3A_199 = arith.cmpi sgt, %get3A_10, %gt3A_198 : vector<1024x1xi32>
    %convert_element_type3A_200 = arith.truncf %select_n3A_194 : vector<1024x64xf32> to vector<1024x64xbf16>
    %dot_general3A_201 = arith.constant dense<0.000000e+00> : vector<1024x64xf32>
    %dot_general3A_202 = tpu.matmul %convert_element_type3A_200, %get3A_4, %dot_general3A_201 {dimension_numbers = #tpu.dot_dimension_numbers<[1], [0], [0], [1], [0, 0, 1, 1], [], []>, transpose_lhs_hint = false} : vector<1024x64xbf16>, vector<64x64xbf16>, vector<1024x64xf32> -> vector<1024x64xf32>
    %slice3A_203 = vector.extract_strided_slice %exp3A_183 {offsets = [0, 64], sizes = [1024, 64], strides = [1, 1]} : vector<1024x128xf32> to vector<1024x64xf32>
    %mul3A_204 = arith.mulf %dot_general3A_202, %slice3A_203 : vector<1024x64xf32>
    %broadcast_in_dim3A_205 = vector.shape_cast %gt3A_199 : vector<1024x1xi1> to vector<1024x1xi1>
    %broadcast_in_dim3A_206 = vector.broadcast %broadcast_in_dim3A_205 : vector<1024x1xi1> to vector<1024x64xi1>
    %select_n3A_207 = arith.select %broadcast_in_dim3A_206, %mul3A_204, %select_n3A_194 : vector<1024x64xi1>, vector<1024x64xf32>
    %add3A_208 = arith.addf %select_n3A_196, %broadcast_in_dim3A_180 : vector<1024x1xf32>
    %select_n3A_209 = arith.select %gt3A_199, %add3A_208, %select_n3A_196 : vector<1024x1xi1>, vector<1024x1xf32>
    %get3A_210 = arith.constant 0 : index
    %get3A_211 = arith.constant 640 : index
    %get3A_212 = vector.load %arg1[%get3A_210, %get3A_211] : memref<1024x3200xf32, #tpu.memory_space<vmem>>, vector<1024x128xf32>
    %convert_element_type3A_213 = arith.truncf %get3A_212 : vector<1024x128xf32> to vector<1024x128xbf16>
    %dot_general3A_214 = arith.constant dense<0.000000e+00> : vector<1024x128xf32>
    %dot_general3A_215 = tpu.matmul %convert_element_type3A_213, %get3A_1, %dot_general3A_214 {dimension_numbers = #tpu.dot_dimension_numbers<[1], [0], [0], [1], [0, 0, 1, 1], [], []>, transpose_lhs_hint = false} : vector<1024x128xbf16>, vector<128x128xbf16>, vector<1024x128xf32> -> vector<1024x128xf32>
    %add3A_216 = vector.broadcast %get3A_7 : vector<1x128xf32> to vector<1024x128xf32>
    %add3A_217 = arith.addf %dot_general3A_215, %add3A_216 : vector<1024x128xf32>
    %reduce_max3A_218 = arith.constant dense<0xFF800000> : vector<1024xf32>
    %reduce_max3A_219 = vector.multi_reduction <maximumf>, %add3A_217, %reduce_max3A_218 [1] : vector<1024x128xf32> to vector<1024xf32>
    %broadcast_in_dim3A_220 = vector.shape_cast %reduce_max3A_219 : vector<1024xf32> to vector<1024x1xf32>
    %sub3A_221 = vector.broadcast %broadcast_in_dim3A_220 : vector<1024x1xf32> to vector<1024x128xf32>
    %sub3A_222 = arith.subf %add3A_217, %sub3A_221 : vector<1024x128xf32>
    %exp3A_223 = math.exp %sub3A_222 : vector<1024x128xf32>
    %gt3A_224 = arith.constant 10 : i32
    %gt3A_225 = vector.broadcast %gt3A_224 : i32 to vector<1024x1xi32>
    %gt3A_226 = arith.cmpi sgt, %get3A_10, %gt3A_225 : vector<1024x1xi32>
    %convert_element_type3A_227 = arith.truncf %select_n3A_207 : vector<1024x64xf32> to vector<1024x64xbf16>
    %dot_general3A_228 = arith.constant dense<0.000000e+00> : vector<1024x64xf32>
    %dot_general3A_229 = tpu.matmul %convert_element_type3A_227, %get3A_4, %dot_general3A_228 {dimension_numbers = #tpu.dot_dimension_numbers<[1], [0], [0], [1], [0, 0, 1, 1], [], []>, transpose_lhs_hint = false} : vector<1024x64xbf16>, vector<64x64xbf16>, vector<1024x64xf32> -> vector<1024x64xf32>
    %slice3A_230 = vector.extract_strided_slice %exp3A_223 {offsets = [0, 0], sizes = [1024, 64], strides = [1, 1]} : vector<1024x128xf32> to vector<1024x64xf32>
    %mul3A_231 = arith.mulf %dot_general3A_229, %slice3A_230 : vector<1024x64xf32>
    %broadcast_in_dim3A_232 = vector.shape_cast %gt3A_226 : vector<1024x1xi1> to vector<1024x1xi1>
    %broadcast_in_dim3A_233 = vector.broadcast %broadcast_in_dim3A_232 : vector<1024x1xi1> to vector<1024x64xi1>
    %select_n3A_234 = arith.select %broadcast_in_dim3A_233, %mul3A_231, %select_n3A_207 : vector<1024x64xi1>, vector<1024x64xf32>
    %add3A_235 = arith.addf %select_n3A_209, %broadcast_in_dim3A_220 : vector<1024x1xf32>
    %select_n3A_236 = arith.select %gt3A_226, %add3A_235, %select_n3A_209 : vector<1024x1xi1>, vector<1024x1xf32>
    %gt3A_237 = arith.constant 11 : i32
    %gt3A_238 = vector.broadcast %gt3A_237 : i32 to vector<1024x1xi32>
    %gt3A_239 = arith.cmpi sgt, %get3A_10, %gt3A_238 : vector<1024x1xi32>
    %convert_element_type3A_240 = arith.truncf %select_n3A_234 : vector<1024x64xf32> to vector<1024x64xbf16>
    %dot_general3A_241 = arith.constant dense<0.000000e+00> : vector<1024x64xf32>
    %dot_general3A_242 = tpu.matmul %convert_element_type3A_240, %get3A_4, %dot_general3A_241 {dimension_numbers = #tpu.dot_dimension_numbers<[1], [0], [0], [1], [0, 0, 1, 1], [], []>, transpose_lhs_hint = false} : vector<1024x64xbf16>, vector<64x64xbf16>, vector<1024x64xf32> -> vector<1024x64xf32>
    %slice3A_243 = vector.extract_strided_slice %exp3A_223 {offsets = [0, 64], sizes = [1024, 64], strides = [1, 1]} : vector<1024x128xf32> to vector<1024x64xf32>
    %mul3A_244 = arith.mulf %dot_general3A_242, %slice3A_243 : vector<1024x64xf32>
    %broadcast_in_dim3A_245 = vector.shape_cast %gt3A_239 : vector<1024x1xi1> to vector<1024x1xi1>
    %broadcast_in_dim3A_246 = vector.broadcast %broadcast_in_dim3A_245 : vector<1024x1xi1> to vector<1024x64xi1>
    %select_n3A_247 = arith.select %broadcast_in_dim3A_246, %mul3A_244, %select_n3A_234 : vector<1024x64xi1>, vector<1024x64xf32>
    %add3A_248 = arith.addf %select_n3A_236, %broadcast_in_dim3A_220 : vector<1024x1xf32>
    %select_n3A_249 = arith.select %gt3A_239, %add3A_248, %select_n3A_236 : vector<1024x1xi1>, vector<1024x1xf32>
    %reduce_sum3A_250 = arith.constant dense<0.000000e+00> : vector<1024xf32>
    %reduce_sum3A_251 = vector.multi_reduction <add>, %select_n3A_247, %reduce_sum3A_250 [1] : vector<1024x64xf32> to vector<1024xf32>
    %broadcast_in_dim3A_252 = vector.shape_cast %reduce_sum3A_251 : vector<1024xf32> to vector<1024x1xf32>
    %div3A_253 = arith.constant 1.000000e+00 : f32
    %div3A_254 = vector.broadcast %div3A_253 : f32 to vector<1024x1xf32>
    %div3A_255 = arith.divf %div3A_254, %broadcast_in_dim3A_252 : vector<1024x1xf32>
    %mul3A_256 = vector.broadcast %div3A_255 : vector<1024x1xf32> to vector<1024x64xf32>
    %mul3A_257 = arith.mulf %select_n3A_247, %mul3A_256 : vector<1024x64xf32>
    %log3A_258 = math.log %broadcast_in_dim3A_252 : vector<1024x1xf32>
    %add3A_259 = arith.addf %select_n3A_249, %log3A_258 : vector<1024x1xf32>
    %get3A_260 = arith.constant 0 : index
    %get3A_261 = arith.constant 768 : index
    %get3A_262 = vector.load %arg1[%get3A_260, %get3A_261] : memref<1024x3200xf32, #tpu.memory_space<vmem>>, vector<1024x128xf32>
    %convert_element_type3A_263 = arith.truncf %get3A_262 : vector<1024x128xf32> to vector<1024x128xbf16>
    %dot_general3A_264 = arith.constant dense<0.000000e+00> : vector<1024x128xf32>
    %dot_general3A_265 = tpu.matmul %convert_element_type3A_263, %get3A_1, %dot_general3A_264 {dimension_numbers = #tpu.dot_dimension_numbers<[1], [0], [0], [1], [0, 0, 1, 1], [], []>, transpose_lhs_hint = false} : vector<1024x128xbf16>, vector<128x128xbf16>, vector<1024x128xf32> -> vector<1024x128xf32>
    %add3A_266 = vector.broadcast %get3A_7 : vector<1x128xf32> to vector<1024x128xf32>
    %add3A_267 = arith.addf %dot_general3A_265, %add3A_266 : vector<1024x128xf32>
    %reduce_max3A_268 = arith.constant dense<0xFF800000> : vector<1024xf32>
    %reduce_max3A_269 = vector.multi_reduction <maximumf>, %add3A_267, %reduce_max3A_268 [1] : vector<1024x128xf32> to vector<1024xf32>
    %broadcast_in_dim3A_270 = vector.shape_cast %reduce_max3A_269 : vector<1024xf32> to vector<1024x1xf32>
    %sub3A_271 = vector.broadcast %broadcast_in_dim3A_270 : vector<1024x1xf32> to vector<1024x128xf32>
    %sub3A_272 = arith.subf %add3A_267, %sub3A_271 : vector<1024x128xf32>
    %exp3A_273 = math.exp %sub3A_272 : vector<1024x128xf32>
    %gt3A_274 = arith.constant 12 : i32
    %gt3A_275 = vector.broadcast %gt3A_274 : i32 to vector<1024x1xi32>
    %gt3A_276 = arith.cmpi sgt, %get3A_10, %gt3A_275 : vector<1024x1xi32>
    %convert_element_type3A_277 = arith.truncf %mul3A_257 : vector<1024x64xf32> to vector<1024x64xbf16>
    %dot_general3A_278 = arith.constant dense<0.000000e+00> : vector<1024x64xf32>
    %dot_general3A_279 = tpu.matmul %convert_element_type3A_277, %get3A_4, %dot_general3A_278 {dimension_numbers = #tpu.dot_dimension_numbers<[1], [0], [0], [1], [0, 0, 1, 1], [], []>, transpose_lhs_hint = false} : vector<1024x64xbf16>, vector<64x64xbf16>, vector<1024x64xf32> -> vector<1024x64xf32>
    %slice3A_280 = vector.extract_strided_slice %exp3A_273 {offsets = [0, 0], sizes = [1024, 64], strides = [1, 1]} : vector<1024x128xf32> to vector<1024x64xf32>
    %mul3A_281 = arith.mulf %dot_general3A_279, %slice3A_280 : vector<1024x64xf32>
    %broadcast_in_dim3A_282 = vector.shape_cast %gt3A_276 : vector<1024x1xi1> to vector<1024x1xi1>
    %broadcast_in_dim3A_283 = vector.broadcast %broadcast_in_dim3A_282 : vector<1024x1xi1> to vector<1024x64xi1>
    %select_n3A_284 = arith.select %broadcast_in_dim3A_283, %mul3A_281, %mul3A_257 : vector<1024x64xi1>, vector<1024x64xf32>
    %add3A_285 = arith.addf %add3A_259, %broadcast_in_dim3A_270 : vector<1024x1xf32>
    %select_n3A_286 = arith.select %gt3A_276, %add3A_285, %add3A_259 : vector<1024x1xi1>, vector<1024x1xf32>
    %gt3A_287 = arith.constant 13 : i32
    %gt3A_288 = vector.broadcast %gt3A_287 : i32 to vector<1024x1xi32>
    %gt3A_289 = arith.cmpi sgt, %get3A_10, %gt3A_288 : vector<1024x1xi32>
    %convert_element_type3A_290 = arith.truncf %select_n3A_284 : vector<1024x64xf32> to vector<1024x64xbf16>
    %dot_general3A_291 = arith.constant dense<0.000000e+00> : vector<1024x64xf32>
    %dot_general3A_292 = tpu.matmul %convert_element_type3A_290, %get3A_4, %dot_general3A_291 {dimension_numbers = #tpu.dot_dimension_numbers<[1], [0], [0], [1], [0, 0, 1, 1], [], []>, transpose_lhs_hint = false} : vector<1024x64xbf16>, vector<64x64xbf16>, vector<1024x64xf32> -> vector<1024x64xf32>
    %slice3A_293 = vector.extract_strided_slice %exp3A_273 {offsets = [0, 64], sizes = [1024, 64], strides = [1, 1]} : vector<1024x128xf32> to vector<1024x64xf32>
    %mul3A_294 = arith.mulf %dot_general3A_292, %slice3A_293 : vector<1024x64xf32>
    %broadcast_in_dim3A_295 = vector.shape_cast %gt3A_289 : vector<1024x1xi1> to vector<1024x1xi1>
    %broadcast_in_dim3A_296 = vector.broadcast %broadcast_in_dim3A_295 : vector<1024x1xi1> to vector<1024x64xi1>
    %select_n3A_297 = arith.select %broadcast_in_dim3A_296, %mul3A_294, %select_n3A_284 : vector<1024x64xi1>, vector<1024x64xf32>
    %add3A_298 = arith.addf %select_n3A_286, %broadcast_in_dim3A_270 : vector<1024x1xf32>
    %select_n3A_299 = arith.select %gt3A_289, %add3A_298, %select_n3A_286 : vector<1024x1xi1>, vector<1024x1xf32>
    %get3A_300 = arith.constant 0 : index
    %get3A_301 = arith.constant 896 : index
    %get3A_302 = vector.load %arg1[%get3A_300, %get3A_301] : memref<1024x3200xf32, #tpu.memory_space<vmem>>, vector<1024x128xf32>
    %convert_element_type3A_303 = arith.truncf %get3A_302 : vector<1024x128xf32> to vector<1024x128xbf16>
    %dot_general3A_304 = arith.constant dense<0.000000e+00> : vector<1024x128xf32>
    %dot_general3A_305 = tpu.matmul %convert_element_type3A_303, %get3A_1, %dot_general3A_304 {dimension_numbers = #tpu.dot_dimension_numbers<[1], [0], [0], [1], [0, 0, 1, 1], [], []>, transpose_lhs_hint = false} : vector<1024x128xbf16>, vector<128x128xbf16>, vector<1024x128xf32> -> vector<1024x128xf32>
    %add3A_306 = vector.broadcast %get3A_7 : vector<1x128xf32> to vector<1024x128xf32>
    %add3A_307 = arith.addf %dot_general3A_305, %add3A_306 : vector<1024x128xf32>
    %reduce_max3A_308 = arith.constant dense<0xFF800000> : vector<1024xf32>
    %reduce_max3A_309 = vector.multi_reduction <maximumf>, %add3A_307, %reduce_max3A_308 [1] : vector<1024x128xf32> to vector<1024xf32>
    %broadcast_in_dim3A_310 = vector.shape_cast %reduce_max3A_309 : vector<1024xf32> to vector<1024x1xf32>
    %sub3A_311 = vector.broadcast %broadcast_in_dim3A_310 : vector<1024x1xf32> to vector<1024x128xf32>
    %sub3A_312 = arith.subf %add3A_307, %sub3A_311 : vector<1024x128xf32>
    %exp3A_313 = math.exp %sub3A_312 : vector<1024x128xf32>
    %gt3A_314 = arith.constant 14 : i32
    %gt3A_315 = vector.broadcast %gt3A_314 : i32 to vector<1024x1xi32>
    %gt3A_316 = arith.cmpi sgt, %get3A_10, %gt3A_315 : vector<1024x1xi32>
    %convert_element_type3A_317 = arith.truncf %select_n3A_297 : vector<1024x64xf32> to vector<1024x64xbf16>
    %dot_general3A_318 = arith.constant dense<0.000000e+00> : vector<1024x64xf32>
    %dot_general3A_319 = tpu.matmul %convert_element_type3A_317, %get3A_4, %dot_general3A_318 {dimension_numbers = #tpu.dot_dimension_numbers<[1], [0], [0], [1], [0, 0, 1, 1], [], []>, transpose_lhs_hint = false} : vector<1024x64xbf16>, vector<64x64xbf16>, vector<1024x64xf32> -> vector<1024x64xf32>
    %slice3A_320 = vector.extract_strided_slice %exp3A_313 {offsets = [0, 0], sizes = [1024, 64], strides = [1, 1]} : vector<1024x128xf32> to vector<1024x64xf32>
    %mul3A_321 = arith.mulf %dot_general3A_319, %slice3A_320 : vector<1024x64xf32>
    %broadcast_in_dim3A_322 = vector.shape_cast %gt3A_316 : vector<1024x1xi1> to vector<1024x1xi1>
    %broadcast_in_dim3A_323 = vector.broadcast %broadcast_in_dim3A_322 : vector<1024x1xi1> to vector<1024x64xi1>
    %select_n3A_324 = arith.select %broadcast_in_dim3A_323, %mul3A_321, %select_n3A_297 : vector<1024x64xi1>, vector<1024x64xf32>
    %add3A_325 = arith.addf %select_n3A_299, %broadcast_in_dim3A_310 : vector<1024x1xf32>
    %select_n3A_326 = arith.select %gt3A_316, %add3A_325, %select_n3A_299 : vector<1024x1xi1>, vector<1024x1xf32>
    %gt3A_327 = arith.constant 15 : i32
    %gt3A_328 = vector.broadcast %gt3A_327 : i32 to vector<1024x1xi32>
    %gt3A_329 = arith.cmpi sgt, %get3A_10, %gt3A_328 : vector<1024x1xi32>
    %convert_element_type3A_330 = arith.truncf %select_n3A_324 : vector<1024x64xf32> to vector<1024x64xbf16>
    %dot_general3A_331 = arith.constant dense<0.000000e+00> : vector<1024x64xf32>
    %dot_general3A_332 = tpu.matmul %convert_element_type3A_330, %get3A_4, %dot_general3A_331 {dimension_numbers = #tpu.dot_dimension_numbers<[1], [0], [0], [1], [0, 0, 1, 1], [], []>, transpose_lhs_hint = false} : vector<1024x64xbf16>, vector<64x64xbf16>, vector<1024x64xf32> -> vector<1024x64xf32>
    %slice3A_333 = vector.extract_strided_slice %exp3A_313 {offsets = [0, 64], sizes = [1024, 64], strides = [1, 1]} : vector<1024x128xf32> to vector<1024x64xf32>
    %mul3A_334 = arith.mulf %dot_general3A_332, %slice3A_333 : vector<1024x64xf32>
    %broadcast_in_dim3A_335 = vector.shape_cast %gt3A_329 : vector<1024x1xi1> to vector<1024x1xi1>
    %broadcast_in_dim3A_336 = vector.broadcast %broadcast_in_dim3A_335 : vector<1024x1xi1> to vector<1024x64xi1>
    %select_n3A_337 = arith.select %broadcast_in_dim3A_336, %mul3A_334, %select_n3A_324 : vector<1024x64xi1>, vector<1024x64xf32>
    %add3A_338 = arith.addf %select_n3A_326, %broadcast_in_dim3A_310 : vector<1024x1xf32>
    %select_n3A_339 = arith.select %gt3A_329, %add3A_338, %select_n3A_326 : vector<1024x1xi1>, vector<1024x1xf32>
    %reduce_sum3A_340 = arith.constant dense<0.000000e+00> : vector<1024xf32>
    %reduce_sum3A_341 = vector.multi_reduction <add>, %select_n3A_337, %reduce_sum3A_340 [1] : vector<1024x64xf32> to vector<1024xf32>
    %broadcast_in_dim3A_342 = vector.shape_cast %reduce_sum3A_341 : vector<1024xf32> to vector<1024x1xf32>
    %div3A_343 = arith.constant 1.000000e+00 : f32
    %div3A_344 = vector.broadcast %div3A_343 : f32 to vector<1024x1xf32>
    %div3A_345 = arith.divf %div3A_344, %broadcast_in_dim3A_342 : vector<1024x1xf32>
    %mul3A_346 = vector.broadcast %div3A_345 : vector<1024x1xf32> to vector<1024x64xf32>
    %mul3A_347 = arith.mulf %select_n3A_337, %mul3A_346 : vector<1024x64xf32>
    %log3A_348 = math.log %broadcast_in_dim3A_342 : vector<1024x1xf32>
    %add3A_349 = arith.addf %select_n3A_339, %log3A_348 : vector<1024x1xf32>
    %get3A_350 = arith.constant 0 : index
    %get3A_351 = arith.constant 1024 : index
    %get3A_352 = vector.load %arg1[%get3A_350, %get3A_351] : memref<1024x3200xf32, #tpu.memory_space<vmem>>, vector<1024x128xf32>
    %convert_element_type3A_353 = arith.truncf %get3A_352 : vector<1024x128xf32> to vector<1024x128xbf16>
    %dot_general3A_354 = arith.constant dense<0.000000e+00> : vector<1024x128xf32>
    %dot_general3A_355 = tpu.matmul %convert_element_type3A_353, %get3A_1, %dot_general3A_354 {dimension_numbers = #tpu.dot_dimension_numbers<[1], [0], [0], [1], [0, 0, 1, 1], [], []>, transpose_lhs_hint = false} : vector<1024x128xbf16>, vector<128x128xbf16>, vector<1024x128xf32> -> vector<1024x128xf32>
    %add3A_356 = vector.broadcast %get3A_7 : vector<1x128xf32> to vector<1024x128xf32>
    %add3A_357 = arith.addf %dot_general3A_355, %add3A_356 : vector<1024x128xf32>
    %reduce_max3A_358 = arith.constant dense<0xFF800000> : vector<1024xf32>
    %reduce_max3A_359 = vector.multi_reduction <maximumf>, %add3A_357, %reduce_max3A_358 [1] : vector<1024x128xf32> to vector<1024xf32>
    %broadcast_in_dim3A_360 = vector.shape_cast %reduce_max3A_359 : vector<1024xf32> to vector<1024x1xf32>
    %sub3A_361 = vector.broadcast %broadcast_in_dim3A_360 : vector<1024x1xf32> to vector<1024x128xf32>
    %sub3A_362 = arith.subf %add3A_357, %sub3A_361 : vector<1024x128xf32>
    %exp3A_363 = math.exp %sub3A_362 : vector<1024x128xf32>
    %gt3A_364 = arith.constant 16 : i32
    %gt3A_365 = vector.broadcast %gt3A_364 : i32 to vector<1024x1xi32>
    %gt3A_366 = arith.cmpi sgt, %get3A_10, %gt3A_365 : vector<1024x1xi32>
    %convert_element_type3A_367 = arith.truncf %mul3A_347 : vector<1024x64xf32> to vector<1024x64xbf16>
    %dot_general3A_368 = arith.constant dense<0.000000e+00> : vector<1024x64xf32>
    %dot_general3A_369 = tpu.matmul %convert_element_type3A_367, %get3A_4, %dot_general3A_368 {dimension_numbers = #tpu.dot_dimension_numbers<[1], [0], [0], [1], [0, 0, 1, 1], [], []>, transpose_lhs_hint = false} : vector<1024x64xbf16>, vector<64x64xbf16>, vector<1024x64xf32> -> vector<1024x64xf32>
    %slice3A_370 = vector.extract_strided_slice %exp3A_363 {offsets = [0, 0], sizes = [1024, 64], strides = [1, 1]} : vector<1024x128xf32> to vector<1024x64xf32>
    %mul3A_371 = arith.mulf %dot_general3A_369, %slice3A_370 : vector<1024x64xf32>
    %broadcast_in_dim3A_372 = vector.shape_cast %gt3A_366 : vector<1024x1xi1> to vector<1024x1xi1>
    %broadcast_in_dim3A_373 = vector.broadcast %broadcast_in_dim3A_372 : vector<1024x1xi1> to vector<1024x64xi1>
    %select_n3A_374 = arith.select %broadcast_in_dim3A_373, %mul3A_371, %mul3A_347 : vector<1024x64xi1>, vector<1024x64xf32>
    %add3A_375 = arith.addf %add3A_349, %broadcast_in_dim3A_360 : vector<1024x1xf32>
    %select_n3A_376 = arith.select %gt3A_366, %add3A_375, %add3A_349 : vector<1024x1xi1>, vector<1024x1xf32>
    %gt3A_377 = arith.constant 17 : i32
    %gt3A_378 = vector.broadcast %gt3A_377 : i32 to vector<1024x1xi32>
    %gt3A_379 = arith.cmpi sgt, %get3A_10, %gt3A_378 : vector<1024x1xi32>
    %convert_element_type3A_380 = arith.truncf %select_n3A_374 : vector<1024x64xf32> to vector<1024x64xbf16>
    %dot_general3A_381 = arith.constant dense<0.000000e+00> : vector<1024x64xf32>
    %dot_general3A_382 = tpu.matmul %convert_element_type3A_380, %get3A_4, %dot_general3A_381 {dimension_numbers = #tpu.dot_dimension_numbers<[1], [0], [0], [1], [0, 0, 1, 1], [], []>, transpose_lhs_hint = false} : vector<1024x64xbf16>, vector<64x64xbf16>, vector<1024x64xf32> -> vector<1024x64xf32>
    %slice3A_383 = vector.extract_strided_slice %exp3A_363 {offsets = [0, 64], sizes = [1024, 64], strides = [1, 1]} : vector<1024x128xf32> to vector<1024x64xf32>
    %mul3A_384 = arith.mulf %dot_general3A_382, %slice3A_383 : vector<1024x64xf32>
    %broadcast_in_dim3A_385 = vector.shape_cast %gt3A_379 : vector<1024x1xi1> to vector<1024x1xi1>
    %broadcast_in_dim3A_386 = vector.broadcast %broadcast_in_dim3A_385 : vector<1024x1xi1> to vector<1024x64xi1>
    %select_n3A_387 = arith.select %broadcast_in_dim3A_386, %mul3A_384, %select_n3A_374 : vector<1024x64xi1>, vector<1024x64xf32>
    %add3A_388 = arith.addf %select_n3A_376, %broadcast_in_dim3A_360 : vector<1024x1xf32>
    %select_n3A_389 = arith.select %gt3A_379, %add3A_388, %select_n3A_376 : vector<1024x1xi1>, vector<1024x1xf32>
    %get3A_390 = arith.constant 0 : index
    %get3A_391 = arith.constant 1152 : index
    %get3A_392 = vector.load %arg1[%get3A_390, %get3A_391] : memref<1024x3200xf32, #tpu.memory_space<vmem>>, vector<1024x128xf32>
    %convert_element_type3A_393 = arith.truncf %get3A_392 : vector<1024x128xf32> to vector<1024x128xbf16>
    %dot_general3A_394 = arith.constant dense<0.000000e+00> : vector<1024x128xf32>
    %dot_general3A_395 = tpu.matmul %convert_element_type3A_393, %get3A_1, %dot_general3A_394 {dimension_numbers = #tpu.dot_dimension_numbers<[1], [0], [0], [1], [0, 0, 1, 1], [], []>, transpose_lhs_hint = false} : vector<1024x128xbf16>, vector<128x128xbf16>, vector<1024x128xf32> -> vector<1024x128xf32>
    %add3A_396 = vector.broadcast %get3A_7 : vector<1x128xf32> to vector<1024x128xf32>
    %add3A_397 = arith.addf %dot_general3A_395, %add3A_396 : vector<1024x128xf32>
    %reduce_max3A_398 = arith.constant dense<0xFF800000> : vector<1024xf32>
    %reduce_max3A_399 = vector.multi_reduction <maximumf>, %add3A_397, %reduce_max3A_398 [1] : vector<1024x128xf32> to vector<1024xf32>
    %broadcast_in_dim3A_400 = vector.shape_cast %reduce_max3A_399 : vector<1024xf32> to vector<1024x1xf32>
    %sub3A_401 = vector.broadcast %broadcast_in_dim3A_400 : vector<1024x1xf32> to vector<1024x128xf32>
    %sub3A_402 = arith.subf %add3A_397, %sub3A_401 : vector<1024x128xf32>
    %exp3A_403 = math.exp %sub3A_402 : vector<1024x128xf32>
    %gt3A_404 = arith.constant 18 : i32
    %gt3A_405 = vector.broadcast %gt3A_404 : i32 to vector<1024x1xi32>
    %gt3A_406 = arith.cmpi sgt, %get3A_10, %gt3A_405 : vector<1024x1xi32>
    %convert_element_type3A_407 = arith.truncf %select_n3A_387 : vector<1024x64xf32> to vector<1024x64xbf16>
    %dot_general3A_408 = arith.constant dense<0.000000e+00> : vector<1024x64xf32>
    %dot_general3A_409 = tpu.matmul %convert_element_type3A_407, %get3A_4, %dot_general3A_408 {dimension_numbers = #tpu.dot_dimension_numbers<[1], [0], [0], [1], [0, 0, 1, 1], [], []>, transpose_lhs_hint = false} : vector<1024x64xbf16>, vector<64x64xbf16>, vector<1024x64xf32> -> vector<1024x64xf32>
    %slice3A_410 = vector.extract_strided_slice %exp3A_403 {offsets = [0, 0], sizes = [1024, 64], strides = [1, 1]} : vector<1024x128xf32> to vector<1024x64xf32>
    %mul3A_411 = arith.mulf %dot_general3A_409, %slice3A_410 : vector<1024x64xf32>
    %broadcast_in_dim3A_412 = vector.shape_cast %gt3A_406 : vector<1024x1xi1> to vector<1024x1xi1>
    %broadcast_in_dim3A_413 = vector.broadcast %broadcast_in_dim3A_412 : vector<1024x1xi1> to vector<1024x64xi1>
    %select_n3A_414 = arith.select %broadcast_in_dim3A_413, %mul3A_411, %select_n3A_387 : vector<1024x64xi1>, vector<1024x64xf32>
    %add3A_415 = arith.addf %select_n3A_389, %broadcast_in_dim3A_400 : vector<1024x1xf32>
    %select_n3A_416 = arith.select %gt3A_406, %add3A_415, %select_n3A_389 : vector<1024x1xi1>, vector<1024x1xf32>
    %gt3A_417 = arith.constant 19 : i32
    %gt3A_418 = vector.broadcast %gt3A_417 : i32 to vector<1024x1xi32>
    %gt3A_419 = arith.cmpi sgt, %get3A_10, %gt3A_418 : vector<1024x1xi32>
    %convert_element_type3A_420 = arith.truncf %select_n3A_414 : vector<1024x64xf32> to vector<1024x64xbf16>
    %dot_general3A_421 = arith.constant dense<0.000000e+00> : vector<1024x64xf32>
    %dot_general3A_422 = tpu.matmul %convert_element_type3A_420, %get3A_4, %dot_general3A_421 {dimension_numbers = #tpu.dot_dimension_numbers<[1], [0], [0], [1], [0, 0, 1, 1], [], []>, transpose_lhs_hint = false} : vector<1024x64xbf16>, vector<64x64xbf16>, vector<1024x64xf32> -> vector<1024x64xf32>
    %slice3A_423 = vector.extract_strided_slice %exp3A_403 {offsets = [0, 64], sizes = [1024, 64], strides = [1, 1]} : vector<1024x128xf32> to vector<1024x64xf32>
    %mul3A_424 = arith.mulf %dot_general3A_422, %slice3A_423 : vector<1024x64xf32>
    %broadcast_in_dim3A_425 = vector.shape_cast %gt3A_419 : vector<1024x1xi1> to vector<1024x1xi1>
    %broadcast_in_dim3A_426 = vector.broadcast %broadcast_in_dim3A_425 : vector<1024x1xi1> to vector<1024x64xi1>
    %select_n3A_427 = arith.select %broadcast_in_dim3A_426, %mul3A_424, %select_n3A_414 : vector<1024x64xi1>, vector<1024x64xf32>
    %add3A_428 = arith.addf %select_n3A_416, %broadcast_in_dim3A_400 : vector<1024x1xf32>
    %select_n3A_429 = arith.select %gt3A_419, %add3A_428, %select_n3A_416 : vector<1024x1xi1>, vector<1024x1xf32>
    %reduce_sum3A_430 = arith.constant dense<0.000000e+00> : vector<1024xf32>
    %reduce_sum3A_431 = vector.multi_reduction <add>, %select_n3A_427, %reduce_sum3A_430 [1] : vector<1024x64xf32> to vector<1024xf32>
    %broadcast_in_dim3A_432 = vector.shape_cast %reduce_sum3A_431 : vector<1024xf32> to vector<1024x1xf32>
    %div3A_433 = arith.constant 1.000000e+00 : f32
    %div3A_434 = vector.broadcast %div3A_433 : f32 to vector<1024x1xf32>
    %div3A_435 = arith.divf %div3A_434, %broadcast_in_dim3A_432 : vector<1024x1xf32>
    %mul3A_436 = vector.broadcast %div3A_435 : vector<1024x1xf32> to vector<1024x64xf32>
    %mul3A_437 = arith.mulf %select_n3A_427, %mul3A_436 : vector<1024x64xf32>
    %log3A_438 = math.log %broadcast_in_dim3A_432 : vector<1024x1xf32>
    %add3A_439 = arith.addf %select_n3A_429, %log3A_438 : vector<1024x1xf32>
    %get3A_440 = arith.constant 0 : index
    %get3A_441 = arith.constant 1280 : index
    %get3A_442 = vector.load %arg1[%get3A_440, %get3A_441] : memref<1024x3200xf32, #tpu.memory_space<vmem>>, vector<1024x128xf32>
    %convert_element_type3A_443 = arith.truncf %get3A_442 : vector<1024x128xf32> to vector<1024x128xbf16>
    %dot_general3A_444 = arith.constant dense<0.000000e+00> : vector<1024x128xf32>
    %dot_general3A_445 = tpu.matmul %convert_element_type3A_443, %get3A_1, %dot_general3A_444 {dimension_numbers = #tpu.dot_dimension_numbers<[1], [0], [0], [1], [0, 0, 1, 1], [], []>, transpose_lhs_hint = false} : vector<1024x128xbf16>, vector<128x128xbf16>, vector<1024x128xf32> -> vector<1024x128xf32>
    %add3A_446 = vector.broadcast %get3A_7 : vector<1x128xf32> to vector<1024x128xf32>
    %add3A_447 = arith.addf %dot_general3A_445, %add3A_446 : vector<1024x128xf32>
    %reduce_max3A_448 = arith.constant dense<0xFF800000> : vector<1024xf32>
    %reduce_max3A_449 = vector.multi_reduction <maximumf>, %add3A_447, %reduce_max3A_448 [1] : vector<1024x128xf32> to vector<1024xf32>
    %broadcast_in_dim3A_450 = vector.shape_cast %reduce_max3A_449 : vector<1024xf32> to vector<1024x1xf32>
    %sub3A_451 = vector.broadcast %broadcast_in_dim3A_450 : vector<1024x1xf32> to vector<1024x128xf32>
    %sub3A_452 = arith.subf %add3A_447, %sub3A_451 : vector<1024x128xf32>
    %exp3A_453 = math.exp %sub3A_452 : vector<1024x128xf32>
    %gt3A_454 = arith.constant 20 : i32
    %gt3A_455 = vector.broadcast %gt3A_454 : i32 to vector<1024x1xi32>
    %gt3A_456 = arith.cmpi sgt, %get3A_10, %gt3A_455 : vector<1024x1xi32>
    %convert_element_type3A_457 = arith.truncf %mul3A_437 : vector<1024x64xf32> to vector<1024x64xbf16>
    %dot_general3A_458 = arith.constant dense<0.000000e+00> : vector<1024x64xf32>
    %dot_general3A_459 = tpu.matmul %convert_element_type3A_457, %get3A_4, %dot_general3A_458 {dimension_numbers = #tpu.dot_dimension_numbers<[1], [0], [0], [1], [0, 0, 1, 1], [], []>, transpose_lhs_hint = false} : vector<1024x64xbf16>, vector<64x64xbf16>, vector<1024x64xf32> -> vector<1024x64xf32>
    %slice3A_460 = vector.extract_strided_slice %exp3A_453 {offsets = [0, 0], sizes = [1024, 64], strides = [1, 1]} : vector<1024x128xf32> to vector<1024x64xf32>
    %mul3A_461 = arith.mulf %dot_general3A_459, %slice3A_460 : vector<1024x64xf32>
    %broadcast_in_dim3A_462 = vector.shape_cast %gt3A_456 : vector<1024x1xi1> to vector<1024x1xi1>
    %broadcast_in_dim3A_463 = vector.broadcast %broadcast_in_dim3A_462 : vector<1024x1xi1> to vector<1024x64xi1>
    %select_n3A_464 = arith.select %broadcast_in_dim3A_463, %mul3A_461, %mul3A_437 : vector<1024x64xi1>, vector<1024x64xf32>
    %add3A_465 = arith.addf %add3A_439, %broadcast_in_dim3A_450 : vector<1024x1xf32>
    %select_n3A_466 = arith.select %gt3A_456, %add3A_465, %add3A_439 : vector<1024x1xi1>, vector<1024x1xf32>
    %gt3A_467 = arith.constant 21 : i32
    %gt3A_468 = vector.broadcast %gt3A_467 : i32 to vector<1024x1xi32>
    %gt3A_469 = arith.cmpi sgt, %get3A_10, %gt3A_468 : vector<1024x1xi32>
    %convert_element_type3A_470 = arith.truncf %select_n3A_464 : vector<1024x64xf32> to vector<1024x64xbf16>
    %dot_general3A_471 = arith.constant dense<0.000000e+00> : vector<1024x64xf32>
    %dot_general3A_472 = tpu.matmul %convert_element_type3A_470, %get3A_4, %dot_general3A_471 {dimension_numbers = #tpu.dot_dimension_numbers<[1], [0], [0], [1], [0, 0, 1, 1], [], []>, transpose_lhs_hint = false} : vector<1024x64xbf16>, vector<64x64xbf16>, vector<1024x64xf32> -> vector<1024x64xf32>
    %slice3A_473 = vector.extract_strided_slice %exp3A_453 {offsets = [0, 64], sizes = [1024, 64], strides = [1, 1]} : vector<1024x128xf32> to vector<1024x64xf32>
    %mul3A_474 = arith.mulf %dot_general3A_472, %slice3A_473 : vector<1024x64xf32>
    %broadcast_in_dim3A_475 = vector.shape_cast %gt3A_469 : vector<1024x1xi1> to vector<1024x1xi1>
    %broadcast_in_dim3A_476 = vector.broadcast %broadcast_in_dim3A_475 : vector<1024x1xi1> to vector<1024x64xi1>
    %select_n3A_477 = arith.select %broadcast_in_dim3A_476, %mul3A_474, %select_n3A_464 : vector<1024x64xi1>, vector<1024x64xf32>
    %add3A_478 = arith.addf %select_n3A_466, %broadcast_in_dim3A_450 : vector<1024x1xf32>
    %select_n3A_479 = arith.select %gt3A_469, %add3A_478, %select_n3A_466 : vector<1024x1xi1>, vector<1024x1xf32>
    %get3A_480 = arith.constant 0 : index
    %get3A_481 = arith.constant 1408 : index
    %get3A_482 = vector.load %arg1[%get3A_480, %get3A_481] : memref<1024x3200xf32, #tpu.memory_space<vmem>>, vector<1024x128xf32>
    %convert_element_type3A_483 = arith.truncf %get3A_482 : vector<1024x128xf32> to vector<1024x128xbf16>
    %dot_general3A_484 = arith.constant dense<0.000000e+00> : vector<1024x128xf32>
    %dot_general3A_485 = tpu.matmul %convert_element_type3A_483, %get3A_1, %dot_general3A_484 {dimension_numbers = #tpu.dot_dimension_numbers<[1], [0], [0], [1], [0, 0, 1, 1], [], []>, transpose_lhs_hint = false} : vector<1024x128xbf16>, vector<128x128xbf16>, vector<1024x128xf32> -> vector<1024x128xf32>
    %add3A_486 = vector.broadcast %get3A_7 : vector<1x128xf32> to vector<1024x128xf32>
    %add3A_487 = arith.addf %dot_general3A_485, %add3A_486 : vector<1024x128xf32>
    %reduce_max3A_488 = arith.constant dense<0xFF800000> : vector<1024xf32>
    %reduce_max3A_489 = vector.multi_reduction <maximumf>, %add3A_487, %reduce_max3A_488 [1] : vector<1024x128xf32> to vector<1024xf32>
    %broadcast_in_dim3A_490 = vector.shape_cast %reduce_max3A_489 : vector<1024xf32> to vector<1024x1xf32>
    %sub3A_491 = vector.broadcast %broadcast_in_dim3A_490 : vector<1024x1xf32> to vector<1024x128xf32>
    %sub3A_492 = arith.subf %add3A_487, %sub3A_491 : vector<1024x128xf32>
    %exp3A_493 = math.exp %sub3A_492 : vector<1024x128xf32>
    %gt3A_494 = arith.constant 22 : i32
    %gt3A_495 = vector.broadcast %gt3A_494 : i32 to vector<1024x1xi32>
    %gt3A_496 = arith.cmpi sgt, %get3A_10, %gt3A_495 : vector<1024x1xi32>
    %convert_element_type3A_497 = arith.truncf %select_n3A_477 : vector<1024x64xf32> to vector<1024x64xbf16>
    %dot_general3A_498 = arith.constant dense<0.000000e+00> : vector<1024x64xf32>
    %dot_general3A_499 = tpu.matmul %convert_element_type3A_497, %get3A_4, %dot_general3A_498 {dimension_numbers = #tpu.dot_dimension_numbers<[1], [0], [0], [1], [0, 0, 1, 1], [], []>, transpose_lhs_hint = false} : vector<1024x64xbf16>, vector<64x64xbf16>, vector<1024x64xf32> -> vector<1024x64xf32>
    %slice3A_500 = vector.extract_strided_slice %exp3A_493 {offsets = [0, 0], sizes = [1024, 64], strides = [1, 1]} : vector<1024x128xf32> to vector<1024x64xf32>
    %mul3A_501 = arith.mulf %dot_general3A_499, %slice3A_500 : vector<1024x64xf32>
    %broadcast_in_dim3A_502 = vector.shape_cast %gt3A_496 : vector<1024x1xi1> to vector<1024x1xi1>
    %broadcast_in_dim3A_503 = vector.broadcast %broadcast_in_dim3A_502 : vector<1024x1xi1> to vector<1024x64xi1>
    %select_n3A_504 = arith.select %broadcast_in_dim3A_503, %mul3A_501, %select_n3A_477 : vector<1024x64xi1>, vector<1024x64xf32>
    %add3A_505 = arith.addf %select_n3A_479, %broadcast_in_dim3A_490 : vector<1024x1xf32>
    %select_n3A_506 = arith.select %gt3A_496, %add3A_505, %select_n3A_479 : vector<1024x1xi1>, vector<1024x1xf32>
    %gt3A_507 = arith.constant 23 : i32
    %gt3A_508 = vector.broadcast %gt3A_507 : i32 to vector<1024x1xi32>
    %gt3A_509 = arith.cmpi sgt, %get3A_10, %gt3A_508 : vector<1024x1xi32>
    %convert_element_type3A_510 = arith.truncf %select_n3A_504 : vector<1024x64xf32> to vector<1024x64xbf16>
    %dot_general3A_511 = arith.constant dense<0.000000e+00> : vector<1024x64xf32>
    %dot_general3A_512 = tpu.matmul %convert_element_type3A_510, %get3A_4, %dot_general3A_511 {dimension_numbers = #tpu.dot_dimension_numbers<[1], [0], [0], [1], [0, 0, 1, 1], [], []>, transpose_lhs_hint = false} : vector<1024x64xbf16>, vector<64x64xbf16>, vector<1024x64xf32> -> vector<1024x64xf32>
    %slice3A_513 = vector.extract_strided_slice %exp3A_493 {offsets = [0, 64], sizes = [1024, 64], strides = [1, 1]} : vector<1024x128xf32> to vector<1024x64xf32>
    %mul3A_514 = arith.mulf %dot_general3A_512, %slice3A_513 : vector<1024x64xf32>
    %broadcast_in_dim3A_515 = vector.shape_cast %gt3A_509 : vector<1024x1xi1> to vector<1024x1xi1>
    %broadcast_in_dim3A_516 = vector.broadcast %broadcast_in_dim3A_515 : vector<1024x1xi1> to vector<1024x64xi1>
    %select_n3A_517 = arith.select %broadcast_in_dim3A_516, %mul3A_514, %select_n3A_504 : vector<1024x64xi1>, vector<1024x64xf32>
    %add3A_518 = arith.addf %select_n3A_506, %broadcast_in_dim3A_490 : vector<1024x1xf32>
    %select_n3A_519 = arith.select %gt3A_509, %add3A_518, %select_n3A_506 : vector<1024x1xi1>, vector<1024x1xf32>
    %reduce_sum3A_520 = arith.constant dense<0.000000e+00> : vector<1024xf32>
    %reduce_sum3A_521 = vector.multi_reduction <add>, %select_n3A_517, %reduce_sum3A_520 [1] : vector<1024x64xf32> to vector<1024xf32>
    %broadcast_in_dim3A_522 = vector.shape_cast %reduce_sum3A_521 : vector<1024xf32> to vector<1024x1xf32>
    %div3A_523 = arith.constant 1.000000e+00 : f32
    %div3A_524 = vector.broadcast %div3A_523 : f32 to vector<1024x1xf32>
    %div3A_525 = arith.divf %div3A_524, %broadcast_in_dim3A_522 : vector<1024x1xf32>
    %mul3A_526 = vector.broadcast %div3A_525 : vector<1024x1xf32> to vector<1024x64xf32>
    %mul3A_527 = arith.mulf %select_n3A_517, %mul3A_526 : vector<1024x64xf32>
    %log3A_528 = math.log %broadcast_in_dim3A_522 : vector<1024x1xf32>
    %add3A_529 = arith.addf %select_n3A_519, %log3A_528 : vector<1024x1xf32>
    %get3A_530 = arith.constant 0 : index
    %get3A_531 = arith.constant 1536 : index
    %get3A_532 = vector.load %arg1[%get3A_530, %get3A_531] : memref<1024x3200xf32, #tpu.memory_space<vmem>>, vector<1024x128xf32>
    %convert_element_type3A_533 = arith.truncf %get3A_532 : vector<1024x128xf32> to vector<1024x128xbf16>
    %dot_general3A_534 = arith.constant dense<0.000000e+00> : vector<1024x128xf32>
    %dot_general3A_535 = tpu.matmul %convert_element_type3A_533, %get3A_1, %dot_general3A_534 {dimension_numbers = #tpu.dot_dimension_numbers<[1], [0], [0], [1], [0, 0, 1, 1], [], []>, transpose_lhs_hint = false} : vector<1024x128xbf16>, vector<128x128xbf16>, vector<1024x128xf32> -> vector<1024x128xf32>
    %add3A_536 = vector.broadcast %get3A_7 : vector<1x128xf32> to vector<1024x128xf32>
    %add3A_537 = arith.addf %dot_general3A_535, %add3A_536 : vector<1024x128xf32>
    %reduce_max3A_538 = arith.constant dense<0xFF800000> : vector<1024xf32>
    %reduce_max3A_539 = vector.multi_reduction <maximumf>, %add3A_537, %reduce_max3A_538 [1] : vector<1024x128xf32> to vector<1024xf32>
    %broadcast_in_dim3A_540 = vector.shape_cast %reduce_max3A_539 : vector<1024xf32> to vector<1024x1xf32>
    %sub3A_541 = vector.broadcast %broadcast_in_dim3A_540 : vector<1024x1xf32> to vector<1024x128xf32>
    %sub3A_542 = arith.subf %add3A_537, %sub3A_541 : vector<1024x128xf32>
    %exp3A_543 = math.exp %sub3A_542 : vector<1024x128xf32>
    %gt3A_544 = arith.constant 24 : i32
    %gt3A_545 = vector.broadcast %gt3A_544 : i32 to vector<1024x1xi32>
    %gt3A_546 = arith.cmpi sgt, %get3A_10, %gt3A_545 : vector<1024x1xi32>
    %convert_element_type3A_547 = arith.truncf %mul3A_527 : vector<1024x64xf32> to vector<1024x64xbf16>
    %dot_general3A_548 = arith.constant dense<0.000000e+00> : vector<1024x64xf32>
    %dot_general3A_549 = tpu.matmul %convert_element_type3A_547, %get3A_4, %dot_general3A_548 {dimension_numbers = #tpu.dot_dimension_numbers<[1], [0], [0], [1], [0, 0, 1, 1], [], []>, transpose_lhs_hint = false} : vector<1024x64xbf16>, vector<64x64xbf16>, vector<1024x64xf32> -> vector<1024x64xf32>
    %slice3A_550 = vector.extract_strided_slice %exp3A_543 {offsets = [0, 0], sizes = [1024, 64], strides = [1, 1]} : vector<1024x128xf32> to vector<1024x64xf32>
    %mul3A_551 = arith.mulf %dot_general3A_549, %slice3A_550 : vector<1024x64xf32>
    %broadcast_in_dim3A_552 = vector.shape_cast %gt3A_546 : vector<1024x1xi1> to vector<1024x1xi1>
    %broadcast_in_dim3A_553 = vector.broadcast %broadcast_in_dim3A_552 : vector<1024x1xi1> to vector<1024x64xi1>
    %select_n3A_554 = arith.select %broadcast_in_dim3A_553, %mul3A_551, %mul3A_527 : vector<1024x64xi1>, vector<1024x64xf32>
    %add3A_555 = arith.addf %add3A_529, %broadcast_in_dim3A_540 : vector<1024x1xf32>
    %select_n3A_556 = arith.select %gt3A_546, %add3A_555, %add3A_529 : vector<1024x1xi1>, vector<1024x1xf32>
    %gt3A_557 = arith.constant 25 : i32
    %gt3A_558 = vector.broadcast %gt3A_557 : i32 to vector<1024x1xi32>
    %gt3A_559 = arith.cmpi sgt, %get3A_10, %gt3A_558 : vector<1024x1xi32>
    %convert_element_type3A_560 = arith.truncf %select_n3A_554 : vector<1024x64xf32> to vector<1024x64xbf16>
    %dot_general3A_561 = arith.constant dense<0.000000e+00> : vector<1024x64xf32>
    %dot_general3A_562 = tpu.matmul %convert_element_type3A_560, %get3A_4, %dot_general3A_561 {dimension_numbers = #tpu.dot_dimension_numbers<[1], [0], [0], [1], [0, 0, 1, 1], [], []>, transpose_lhs_hint = false} : vector<1024x64xbf16>, vector<64x64xbf16>, vector<1024x64xf32> -> vector<1024x64xf32>
    %slice3A_563 = vector.extract_strided_slice %exp3A_543 {offsets = [0, 64], sizes = [1024, 64], strides = [1, 1]} : vector<1024x128xf32> to vector<1024x64xf32>
    %mul3A_564 = arith.mulf %dot_general3A_562, %slice3A_563 : vector<1024x64xf32>
    %broadcast_in_dim3A_565 = vector.shape_cast %gt3A_559 : vector<1024x1xi1> to vector<1024x1xi1>
    %broadcast_in_dim3A_566 = vector.broadcast %broadcast_in_dim3A_565 : vector<1024x1xi1> to vector<1024x64xi1>
    %select_n3A_567 = arith.select %broadcast_in_dim3A_566, %mul3A_564, %select_n3A_554 : vector<1024x64xi1>, vector<1024x64xf32>
    %add3A_568 = arith.addf %select_n3A_556, %broadcast_in_dim3A_540 : vector<1024x1xf32>
    %select_n3A_569 = arith.select %gt3A_559, %add3A_568, %select_n3A_556 : vector<1024x1xi1>, vector<1024x1xf32>
    %get3A_570 = arith.constant 0 : index
    %get3A_571 = arith.constant 1664 : index
    %get3A_572 = vector.load %arg1[%get3A_570, %get3A_571] : memref<1024x3200xf32, #tpu.memory_space<vmem>>, vector<1024x128xf32>
    %convert_element_type3A_573 = arith.truncf %get3A_572 : vector<1024x128xf32> to vector<1024x128xbf16>
    %dot_general3A_574 = arith.constant dense<0.000000e+00> : vector<1024x128xf32>
    %dot_general3A_575 = tpu.matmul %convert_element_type3A_573, %get3A_1, %dot_general3A_574 {dimension_numbers = #tpu.dot_dimension_numbers<[1], [0], [0], [1], [0, 0, 1, 1], [], []>, transpose_lhs_hint = false} : vector<1024x128xbf16>, vector<128x128xbf16>, vector<1024x128xf32> -> vector<1024x128xf32>
    %add3A_576 = vector.broadcast %get3A_7 : vector<1x128xf32> to vector<1024x128xf32>
    %add3A_577 = arith.addf %dot_general3A_575, %add3A_576 : vector<1024x128xf32>
    %reduce_max3A_578 = arith.constant dense<0xFF800000> : vector<1024xf32>
    %reduce_max3A_579 = vector.multi_reduction <maximumf>, %add3A_577, %reduce_max3A_578 [1] : vector<1024x128xf32> to vector<1024xf32>
    %broadcast_in_dim3A_580 = vector.shape_cast %reduce_max3A_579 : vector<1024xf32> to vector<1024x1xf32>
    %sub3A_581 = vector.broadcast %broadcast_in_dim3A_580 : vector<1024x1xf32> to vector<1024x128xf32>
    %sub3A_582 = arith.subf %add3A_577, %sub3A_581 : vector<1024x128xf32>
    %exp3A_583 = math.exp %sub3A_582 : vector<1024x128xf32>
    %gt3A_584 = arith.constant 26 : i32
    %gt3A_585 = vector.broadcast %gt3A_584 : i32 to vector<1024x1xi32>
    %gt3A_586 = arith.cmpi sgt, %get3A_10, %gt3A_585 : vector<1024x1xi32>
    %convert_element_type3A_587 = arith.truncf %select_n3A_567 : vector<1024x64xf32> to vector<1024x64xbf16>
    %dot_general3A_588 = arith.constant dense<0.000000e+00> : vector<1024x64xf32>
    %dot_general3A_589 = tpu.matmul %convert_element_type3A_587, %get3A_4, %dot_general3A_588 {dimension_numbers = #tpu.dot_dimension_numbers<[1], [0], [0], [1], [0, 0, 1, 1], [], []>, transpose_lhs_hint = false} : vector<1024x64xbf16>, vector<64x64xbf16>, vector<1024x64xf32> -> vector<1024x64xf32>
    %slice3A_590 = vector.extract_strided_slice %exp3A_583 {offsets = [0, 0], sizes = [1024, 64], strides = [1, 1]} : vector<1024x128xf32> to vector<1024x64xf32>
    %mul3A_591 = arith.mulf %dot_general3A_589, %slice3A_590 : vector<1024x64xf32>
    %broadcast_in_dim3A_592 = vector.shape_cast %gt3A_586 : vector<1024x1xi1> to vector<1024x1xi1>
    %broadcast_in_dim3A_593 = vector.broadcast %broadcast_in_dim3A_592 : vector<1024x1xi1> to vector<1024x64xi1>
    %select_n3A_594 = arith.select %broadcast_in_dim3A_593, %mul3A_591, %select_n3A_567 : vector<1024x64xi1>, vector<1024x64xf32>
    %add3A_595 = arith.addf %select_n3A_569, %broadcast_in_dim3A_580 : vector<1024x1xf32>
    %select_n3A_596 = arith.select %gt3A_586, %add3A_595, %select_n3A_569 : vector<1024x1xi1>, vector<1024x1xf32>
    %gt3A_597 = arith.constant 27 : i32
    %gt3A_598 = vector.broadcast %gt3A_597 : i32 to vector<1024x1xi32>
    %gt3A_599 = arith.cmpi sgt, %get3A_10, %gt3A_598 : vector<1024x1xi32>
    %convert_element_type3A_600 = arith.truncf %select_n3A_594 : vector<1024x64xf32> to vector<1024x64xbf16>
    %dot_general3A_601 = arith.constant dense<0.000000e+00> : vector<1024x64xf32>
    %dot_general3A_602 = tpu.matmul %convert_element_type3A_600, %get3A_4, %dot_general3A_601 {dimension_numbers = #tpu.dot_dimension_numbers<[1], [0], [0], [1], [0, 0, 1, 1], [], []>, transpose_lhs_hint = false} : vector<1024x64xbf16>, vector<64x64xbf16>, vector<1024x64xf32> -> vector<1024x64xf32>
    %slice3A_603 = vector.extract_strided_slice %exp3A_583 {offsets = [0, 64], sizes = [1024, 64], strides = [1, 1]} : vector<1024x128xf32> to vector<1024x64xf32>
    %mul3A_604 = arith.mulf %dot_general3A_602, %slice3A_603 : vector<1024x64xf32>
    %broadcast_in_dim3A_605 = vector.shape_cast %gt3A_599 : vector<1024x1xi1> to vector<1024x1xi1>
    %broadcast_in_dim3A_606 = vector.broadcast %broadcast_in_dim3A_605 : vector<1024x1xi1> to vector<1024x64xi1>
    %select_n3A_607 = arith.select %broadcast_in_dim3A_606, %mul3A_604, %select_n3A_594 : vector<1024x64xi1>, vector<1024x64xf32>
    %add3A_608 = arith.addf %select_n3A_596, %broadcast_in_dim3A_580 : vector<1024x1xf32>
    %select_n3A_609 = arith.select %gt3A_599, %add3A_608, %select_n3A_596 : vector<1024x1xi1>, vector<1024x1xf32>
    %reduce_sum3A_610 = arith.constant dense<0.000000e+00> : vector<1024xf32>
    %reduce_sum3A_611 = vector.multi_reduction <add>, %select_n3A_607, %reduce_sum3A_610 [1] : vector<1024x64xf32> to vector<1024xf32>
    %broadcast_in_dim3A_612 = vector.shape_cast %reduce_sum3A_611 : vector<1024xf32> to vector<1024x1xf32>
    %div3A_613 = arith.constant 1.000000e+00 : f32
    %div3A_614 = vector.broadcast %div3A_613 : f32 to vector<1024x1xf32>
    %div3A_615 = arith.divf %div3A_614, %broadcast_in_dim3A_612 : vector<1024x1xf32>
    %mul3A_616 = vector.broadcast %div3A_615 : vector<1024x1xf32> to vector<1024x64xf32>
    %mul3A_617 = arith.mulf %select_n3A_607, %mul3A_616 : vector<1024x64xf32>
    %log3A_618 = math.log %broadcast_in_dim3A_612 : vector<1024x1xf32>
    %add3A_619 = arith.addf %select_n3A_609, %log3A_618 : vector<1024x1xf32>
    %get3A_620 = arith.constant 0 : index
    %get3A_621 = arith.constant 1792 : index
    %get3A_622 = vector.load %arg1[%get3A_620, %get3A_621] : memref<1024x3200xf32, #tpu.memory_space<vmem>>, vector<1024x128xf32>
    %convert_element_type3A_623 = arith.truncf %get3A_622 : vector<1024x128xf32> to vector<1024x128xbf16>
    %dot_general3A_624 = arith.constant dense<0.000000e+00> : vector<1024x128xf32>
    %dot_general3A_625 = tpu.matmul %convert_element_type3A_623, %get3A_1, %dot_general3A_624 {dimension_numbers = #tpu.dot_dimension_numbers<[1], [0], [0], [1], [0, 0, 1, 1], [], []>, transpose_lhs_hint = false} : vector<1024x128xbf16>, vector<128x128xbf16>, vector<1024x128xf32> -> vector<1024x128xf32>
    %add3A_626 = vector.broadcast %get3A_7 : vector<1x128xf32> to vector<1024x128xf32>
    %add3A_627 = arith.addf %dot_general3A_625, %add3A_626 : vector<1024x128xf32>
    %reduce_max3A_628 = arith.constant dense<0xFF800000> : vector<1024xf32>
    %reduce_max3A_629 = vector.multi_reduction <maximumf>, %add3A_627, %reduce_max3A_628 [1] : vector<1024x128xf32> to vector<1024xf32>
    %broadcast_in_dim3A_630 = vector.shape_cast %reduce_max3A_629 : vector<1024xf32> to vector<1024x1xf32>
    %sub3A_631 = vector.broadcast %broadcast_in_dim3A_630 : vector<1024x1xf32> to vector<1024x128xf32>
    %sub3A_632 = arith.subf %add3A_627, %sub3A_631 : vector<1024x128xf32>
    %exp3A_633 = math.exp %sub3A_632 : vector<1024x128xf32>
    %gt3A_634 = arith.constant 28 : i32
    %gt3A_635 = vector.broadcast %gt3A_634 : i32 to vector<1024x1xi32>
    %gt3A_636 = arith.cmpi sgt, %get3A_10, %gt3A_635 : vector<1024x1xi32>
    %convert_element_type3A_637 = arith.truncf %mul3A_617 : vector<1024x64xf32> to vector<1024x64xbf16>
    %dot_general3A_638 = arith.constant dense<0.000000e+00> : vector<1024x64xf32>
    %dot_general3A_639 = tpu.matmul %convert_element_type3A_637, %get3A_4, %dot_general3A_638 {dimension_numbers = #tpu.dot_dimension_numbers<[1], [0], [0], [1], [0, 0, 1, 1], [], []>, transpose_lhs_hint = false} : vector<1024x64xbf16>, vector<64x64xbf16>, vector<1024x64xf32> -> vector<1024x64xf32>
    %slice3A_640 = vector.extract_strided_slice %exp3A_633 {offsets = [0, 0], sizes = [1024, 64], strides = [1, 1]} : vector<1024x128xf32> to vector<1024x64xf32>
    %mul3A_641 = arith.mulf %dot_general3A_639, %slice3A_640 : vector<1024x64xf32>
    %broadcast_in_dim3A_642 = vector.shape_cast %gt3A_636 : vector<1024x1xi1> to vector<1024x1xi1>
    %broadcast_in_dim3A_643 = vector.broadcast %broadcast_in_dim3A_642 : vector<1024x1xi1> to vector<1024x64xi1>
    %select_n3A_644 = arith.select %broadcast_in_dim3A_643, %mul3A_641, %mul3A_617 : vector<1024x64xi1>, vector<1024x64xf32>
    %add3A_645 = arith.addf %add3A_619, %broadcast_in_dim3A_630 : vector<1024x1xf32>
    %select_n3A_646 = arith.select %gt3A_636, %add3A_645, %add3A_619 : vector<1024x1xi1>, vector<1024x1xf32>
    %gt3A_647 = arith.constant 29 : i32
    %gt3A_648 = vector.broadcast %gt3A_647 : i32 to vector<1024x1xi32>
    %gt3A_649 = arith.cmpi sgt, %get3A_10, %gt3A_648 : vector<1024x1xi32>
    %convert_element_type3A_650 = arith.truncf %select_n3A_644 : vector<1024x64xf32> to vector<1024x64xbf16>
    %dot_general3A_651 = arith.constant dense<0.000000e+00> : vector<1024x64xf32>
    %dot_general3A_652 = tpu.matmul %convert_element_type3A_650, %get3A_4, %dot_general3A_651 {dimension_numbers = #tpu.dot_dimension_numbers<[1], [0], [0], [1], [0, 0, 1, 1], [], []>, transpose_lhs_hint = false} : vector<1024x64xbf16>, vector<64x64xbf16>, vector<1024x64xf32> -> vector<1024x64xf32>
    %slice3A_653 = vector.extract_strided_slice %exp3A_633 {offsets = [0, 64], sizes = [1024, 64], strides = [1, 1]} : vector<1024x128xf32> to vector<1024x64xf32>
    %mul3A_654 = arith.mulf %dot_general3A_652, %slice3A_653 : vector<1024x64xf32>
    %broadcast_in_dim3A_655 = vector.shape_cast %gt3A_649 : vector<1024x1xi1> to vector<1024x1xi1>
    %broadcast_in_dim3A_656 = vector.broadcast %broadcast_in_dim3A_655 : vector<1024x1xi1> to vector<1024x64xi1>
    %select_n3A_657 = arith.select %broadcast_in_dim3A_656, %mul3A_654, %select_n3A_644 : vector<1024x64xi1>, vector<1024x64xf32>
    %add3A_658 = arith.addf %select_n3A_646, %broadcast_in_dim3A_630 : vector<1024x1xf32>
    %select_n3A_659 = arith.select %gt3A_649, %add3A_658, %select_n3A_646 : vector<1024x1xi1>, vector<1024x1xf32>
    %get3A_660 = arith.constant 0 : index
    %get3A_661 = arith.constant 1920 : index
    %get3A_662 = vector.load %arg1[%get3A_660, %get3A_661] : memref<1024x3200xf32, #tpu.memory_space<vmem>>, vector<1024x128xf32>
    %convert_element_type3A_663 = arith.truncf %get3A_662 : vector<1024x128xf32> to vector<1024x128xbf16>
    %dot_general3A_664 = arith.constant dense<0.000000e+00> : vector<1024x128xf32>
    %dot_general3A_665 = tpu.matmul %convert_element_type3A_663, %get3A_1, %dot_general3A_664 {dimension_numbers = #tpu.dot_dimension_numbers<[1], [0], [0], [1], [0, 0, 1, 1], [], []>, transpose_lhs_hint = false} : vector<1024x128xbf16>, vector<128x128xbf16>, vector<1024x128xf32> -> vector<1024x128xf32>
    %add3A_666 = vector.broadcast %get3A_7 : vector<1x128xf32> to vector<1024x128xf32>
    %add3A_667 = arith.addf %dot_general3A_665, %add3A_666 : vector<1024x128xf32>
    %reduce_max3A_668 = arith.constant dense<0xFF800000> : vector<1024xf32>
    %reduce_max3A_669 = vector.multi_reduction <maximumf>, %add3A_667, %reduce_max3A_668 [1] : vector<1024x128xf32> to vector<1024xf32>
    %broadcast_in_dim3A_670 = vector.shape_cast %reduce_max3A_669 : vector<1024xf32> to vector<1024x1xf32>
    %sub3A_671 = vector.broadcast %broadcast_in_dim3A_670 : vector<1024x1xf32> to vector<1024x128xf32>
    %sub3A_672 = arith.subf %add3A_667, %sub3A_671 : vector<1024x128xf32>
    %exp3A_673 = math.exp %sub3A_672 : vector<1024x128xf32>
    %gt3A_674 = arith.constant 30 : i32
    %gt3A_675 = vector.broadcast %gt3A_674 : i32 to vector<1024x1xi32>
    %gt3A_676 = arith.cmpi sgt, %get3A_10, %gt3A_675 : vector<1024x1xi32>
    %convert_element_type3A_677 = arith.truncf %select_n3A_657 : vector<1024x64xf32> to vector<1024x64xbf16>
    %dot_general3A_678 = arith.constant dense<0.000000e+00> : vector<1024x64xf32>
    %dot_general3A_679 = tpu.matmul %convert_element_type3A_677, %get3A_4, %dot_general3A_678 {dimension_numbers = #tpu.dot_dimension_numbers<[1], [0], [0], [1], [0, 0, 1, 1], [], []>, transpose_lhs_hint = false} : vector<1024x64xbf16>, vector<64x64xbf16>, vector<1024x64xf32> -> vector<1024x64xf32>
    %slice3A_680 = vector.extract_strided_slice %exp3A_673 {offsets = [0, 0], sizes = [1024, 64], strides = [1, 1]} : vector<1024x128xf32> to vector<1024x64xf32>
    %mul3A_681 = arith.mulf %dot_general3A_679, %slice3A_680 : vector<1024x64xf32>
    %broadcast_in_dim3A_682 = vector.shape_cast %gt3A_676 : vector<1024x1xi1> to vector<1024x1xi1>
    %broadcast_in_dim3A_683 = vector.broadcast %broadcast_in_dim3A_682 : vector<1024x1xi1> to vector<1024x64xi1>
    %select_n3A_684 = arith.select %broadcast_in_dim3A_683, %mul3A_681, %select_n3A_657 : vector<1024x64xi1>, vector<1024x64xf32>
    %add3A_685 = arith.addf %select_n3A_659, %broadcast_in_dim3A_670 : vector<1024x1xf32>
    %select_n3A_686 = arith.select %gt3A_676, %add3A_685, %select_n3A_659 : vector<1024x1xi1>, vector<1024x1xf32>
    %gt3A_687 = arith.constant 31 : i32
    %gt3A_688 = vector.broadcast %gt3A_687 : i32 to vector<1024x1xi32>
    %gt3A_689 = arith.cmpi sgt, %get3A_10, %gt3A_688 : vector<1024x1xi32>
    %convert_element_type3A_690 = arith.truncf %select_n3A_684 : vector<1024x64xf32> to vector<1024x64xbf16>
    %dot_general3A_691 = arith.constant dense<0.000000e+00> : vector<1024x64xf32>
    %dot_general3A_692 = tpu.matmul %convert_element_type3A_690, %get3A_4, %dot_general3A_691 {dimension_numbers = #tpu.dot_dimension_numbers<[1], [0], [0], [1], [0, 0, 1, 1], [], []>, transpose_lhs_hint = false} : vector<1024x64xbf16>, vector<64x64xbf16>, vector<1024x64xf32> -> vector<1024x64xf32>
    %slice3A_693 = vector.extract_strided_slice %exp3A_673 {offsets = [0, 64], sizes = [1024, 64], strides = [1, 1]} : vector<1024x128xf32> to vector<1024x64xf32>
    %mul3A_694 = arith.mulf %dot_general3A_692, %slice3A_693 : vector<1024x64xf32>
    %broadcast_in_dim3A_695 = vector.shape_cast %gt3A_689 : vector<1024x1xi1> to vector<1024x1xi1>
    %broadcast_in_dim3A_696 = vector.broadcast %broadcast_in_dim3A_695 : vector<1024x1xi1> to vector<1024x64xi1>
    %select_n3A_697 = arith.select %broadcast_in_dim3A_696, %mul3A_694, %select_n3A_684 : vector<1024x64xi1>, vector<1024x64xf32>
    %add3A_698 = arith.addf %select_n3A_686, %broadcast_in_dim3A_670 : vector<1024x1xf32>
    %select_n3A_699 = arith.select %gt3A_689, %add3A_698, %select_n3A_686 : vector<1024x1xi1>, vector<1024x1xf32>
    %reduce_sum3A_700 = arith.constant dense<0.000000e+00> : vector<1024xf32>
    %reduce_sum3A_701 = vector.multi_reduction <add>, %select_n3A_697, %reduce_sum3A_700 [1] : vector<1024x64xf32> to vector<1024xf32>
    %broadcast_in_dim3A_702 = vector.shape_cast %reduce_sum3A_701 : vector<1024xf32> to vector<1024x1xf32>
    %div3A_703 = arith.constant 1.000000e+00 : f32
    %div3A_704 = vector.broadcast %div3A_703 : f32 to vector<1024x1xf32>
    %div3A_705 = arith.divf %div3A_704, %broadcast_in_dim3A_702 : vector<1024x1xf32>
    %mul3A_706 = vector.broadcast %div3A_705 : vector<1024x1xf32> to vector<1024x64xf32>
    %mul3A_707 = arith.mulf %select_n3A_697, %mul3A_706 : vector<1024x64xf32>
    %log3A_708 = math.log %broadcast_in_dim3A_702 : vector<1024x1xf32>
    %add3A_709 = arith.addf %select_n3A_699, %log3A_708 : vector<1024x1xf32>
    %get3A_710 = arith.constant 0 : index
    %get3A_711 = arith.constant 2048 : index
    %get3A_712 = vector.load %arg1[%get3A_710, %get3A_711] : memref<1024x3200xf32, #tpu.memory_space<vmem>>, vector<1024x128xf32>
    %convert_element_type3A_713 = arith.truncf %get3A_712 : vector<1024x128xf32> to vector<1024x128xbf16>
    %dot_general3A_714 = arith.constant dense<0.000000e+00> : vector<1024x128xf32>
    %dot_general3A_715 = tpu.matmul %convert_element_type3A_713, %get3A_1, %dot_general3A_714 {dimension_numbers = #tpu.dot_dimension_numbers<[1], [0], [0], [1], [0, 0, 1, 1], [], []>, transpose_lhs_hint = false} : vector<1024x128xbf16>, vector<128x128xbf16>, vector<1024x128xf32> -> vector<1024x128xf32>
    %add3A_716 = vector.broadcast %get3A_7 : vector<1x128xf32> to vector<1024x128xf32>
    %add3A_717 = arith.addf %dot_general3A_715, %add3A_716 : vector<1024x128xf32>
    %reduce_max3A_718 = arith.constant dense<0xFF800000> : vector<1024xf32>
    %reduce_max3A_719 = vector.multi_reduction <maximumf>, %add3A_717, %reduce_max3A_718 [1] : vector<1024x128xf32> to vector<1024xf32>
    %broadcast_in_dim3A_720 = vector.shape_cast %reduce_max3A_719 : vector<1024xf32> to vector<1024x1xf32>
    %sub3A_721 = vector.broadcast %broadcast_in_dim3A_720 : vector<1024x1xf32> to vector<1024x128xf32>
    %sub3A_722 = arith.subf %add3A_717, %sub3A_721 : vector<1024x128xf32>
    %exp3A_723 = math.exp %sub3A_722 : vector<1024x128xf32>
    %gt3A_724 = arith.constant 32 : i32
    %gt3A_725 = vector.broadcast %gt3A_724 : i32 to vector<1024x1xi32>
    %gt3A_726 = arith.cmpi sgt, %get3A_10, %gt3A_725 : vector<1024x1xi32>
    %convert_element_type3A_727 = arith.truncf %mul3A_707 : vector<1024x64xf32> to vector<1024x64xbf16>
    %dot_general3A_728 = arith.constant dense<0.000000e+00> : vector<1024x64xf32>
    %dot_general3A_729 = tpu.matmul %convert_element_type3A_727, %get3A_4, %dot_general3A_728 {dimension_numbers = #tpu.dot_dimension_numbers<[1], [0], [0], [1], [0, 0, 1, 1], [], []>, transpose_lhs_hint = false} : vector<1024x64xbf16>, vector<64x64xbf16>, vector<1024x64xf32> -> vector<1024x64xf32>
    %slice3A_730 = vector.extract_strided_slice %exp3A_723 {offsets = [0, 0], sizes = [1024, 64], strides = [1, 1]} : vector<1024x128xf32> to vector<1024x64xf32>
    %mul3A_731 = arith.mulf %dot_general3A_729, %slice3A_730 : vector<1024x64xf32>
    %broadcast_in_dim3A_732 = vector.shape_cast %gt3A_726 : vector<1024x1xi1> to vector<1024x1xi1>
    %broadcast_in_dim3A_733 = vector.broadcast %broadcast_in_dim3A_732 : vector<1024x1xi1> to vector<1024x64xi1>
    %select_n3A_734 = arith.select %broadcast_in_dim3A_733, %mul3A_731, %mul3A_707 : vector<1024x64xi1>, vector<1024x64xf32>
    %add3A_735 = arith.addf %add3A_709, %broadcast_in_dim3A_720 : vector<1024x1xf32>
    %select_n3A_736 = arith.select %gt3A_726, %add3A_735, %add3A_709 : vector<1024x1xi1>, vector<1024x1xf32>
    %gt3A_737 = arith.constant 33 : i32
    %gt3A_738 = vector.broadcast %gt3A_737 : i32 to vector<1024x1xi32>
    %gt3A_739 = arith.cmpi sgt, %get3A_10, %gt3A_738 : vector<1024x1xi32>
    %convert_element_type3A_740 = arith.truncf %select_n3A_734 : vector<1024x64xf32> to vector<1024x64xbf16>
    %dot_general3A_741 = arith.constant dense<0.000000e+00> : vector<1024x64xf32>
    %dot_general3A_742 = tpu.matmul %convert_element_type3A_740, %get3A_4, %dot_general3A_741 {dimension_numbers = #tpu.dot_dimension_numbers<[1], [0], [0], [1], [0, 0, 1, 1], [], []>, transpose_lhs_hint = false} : vector<1024x64xbf16>, vector<64x64xbf16>, vector<1024x64xf32> -> vector<1024x64xf32>
    %slice3A_743 = vector.extract_strided_slice %exp3A_723 {offsets = [0, 64], sizes = [1024, 64], strides = [1, 1]} : vector<1024x128xf32> to vector<1024x64xf32>
    %mul3A_744 = arith.mulf %dot_general3A_742, %slice3A_743 : vector<1024x64xf32>
    %broadcast_in_dim3A_745 = vector.shape_cast %gt3A_739 : vector<1024x1xi1> to vector<1024x1xi1>
    %broadcast_in_dim3A_746 = vector.broadcast %broadcast_in_dim3A_745 : vector<1024x1xi1> to vector<1024x64xi1>
    %select_n3A_747 = arith.select %broadcast_in_dim3A_746, %mul3A_744, %select_n3A_734 : vector<1024x64xi1>, vector<1024x64xf32>
    %add3A_748 = arith.addf %select_n3A_736, %broadcast_in_dim3A_720 : vector<1024x1xf32>
    %select_n3A_749 = arith.select %gt3A_739, %add3A_748, %select_n3A_736 : vector<1024x1xi1>, vector<1024x1xf32>
    %get3A_750 = arith.constant 0 : index
    %get3A_751 = arith.constant 2176 : index
    %get3A_752 = vector.load %arg1[%get3A_750, %get3A_751] : memref<1024x3200xf32, #tpu.memory_space<vmem>>, vector<1024x128xf32>
    %convert_element_type3A_753 = arith.truncf %get3A_752 : vector<1024x128xf32> to vector<1024x128xbf16>
    %dot_general3A_754 = arith.constant dense<0.000000e+00> : vector<1024x128xf32>
    %dot_general3A_755 = tpu.matmul %convert_element_type3A_753, %get3A_1, %dot_general3A_754 {dimension_numbers = #tpu.dot_dimension_numbers<[1], [0], [0], [1], [0, 0, 1, 1], [], []>, transpose_lhs_hint = false} : vector<1024x128xbf16>, vector<128x128xbf16>, vector<1024x128xf32> -> vector<1024x128xf32>
    %add3A_756 = vector.broadcast %get3A_7 : vector<1x128xf32> to vector<1024x128xf32>
    %add3A_757 = arith.addf %dot_general3A_755, %add3A_756 : vector<1024x128xf32>
    %reduce_max3A_758 = arith.constant dense<0xFF800000> : vector<1024xf32>
    %reduce_max3A_759 = vector.multi_reduction <maximumf>, %add3A_757, %reduce_max3A_758 [1] : vector<1024x128xf32> to vector<1024xf32>
    %broadcast_in_dim3A_760 = vector.shape_cast %reduce_max3A_759 : vector<1024xf32> to vector<1024x1xf32>
    %sub3A_761 = vector.broadcast %broadcast_in_dim3A_760 : vector<1024x1xf32> to vector<1024x128xf32>
    %sub3A_762 = arith.subf %add3A_757, %sub3A_761 : vector<1024x128xf32>
    %exp3A_763 = math.exp %sub3A_762 : vector<1024x128xf32>
    %gt3A_764 = arith.constant 34 : i32
    %gt3A_765 = vector.broadcast %gt3A_764 : i32 to vector<1024x1xi32>
    %gt3A_766 = arith.cmpi sgt, %get3A_10, %gt3A_765 : vector<1024x1xi32>
    %convert_element_type3A_767 = arith.truncf %select_n3A_747 : vector<1024x64xf32> to vector<1024x64xbf16>
    %dot_general3A_768 = arith.constant dense<0.000000e+00> : vector<1024x64xf32>
    %dot_general3A_769 = tpu.matmul %convert_element_type3A_767, %get3A_4, %dot_general3A_768 {dimension_numbers = #tpu.dot_dimension_numbers<[1], [0], [0], [1], [0, 0, 1, 1], [], []>, transpose_lhs_hint = false} : vector<1024x64xbf16>, vector<64x64xbf16>, vector<1024x64xf32> -> vector<1024x64xf32>
    %slice3A_770 = vector.extract_strided_slice %exp3A_763 {offsets = [0, 0], sizes = [1024, 64], strides = [1, 1]} : vector<1024x128xf32> to vector<1024x64xf32>
    %mul3A_771 = arith.mulf %dot_general3A_769, %slice3A_770 : vector<1024x64xf32>
    %broadcast_in_dim3A_772 = vector.shape_cast %gt3A_766 : vector<1024x1xi1> to vector<1024x1xi1>
    %broadcast_in_dim3A_773 = vector.broadcast %broadcast_in_dim3A_772 : vector<1024x1xi1> to vector<1024x64xi1>
    %select_n3A_774 = arith.select %broadcast_in_dim3A_773, %mul3A_771, %select_n3A_747 : vector<1024x64xi1>, vector<1024x64xf32>
    %add3A_775 = arith.addf %select_n3A_749, %broadcast_in_dim3A_760 : vector<1024x1xf32>
    %select_n3A_776 = arith.select %gt3A_766, %add3A_775, %select_n3A_749 : vector<1024x1xi1>, vector<1024x1xf32>
    %gt3A_777 = arith.constant 35 : i32
    %gt3A_778 = vector.broadcast %gt3A_777 : i32 to vector<1024x1xi32>
    %gt3A_779 = arith.cmpi sgt, %get3A_10, %gt3A_778 : vector<1024x1xi32>
    %convert_element_type3A_780 = arith.truncf %select_n3A_774 : vector<1024x64xf32> to vector<1024x64xbf16>
    %dot_general3A_781 = arith.constant dense<0.000000e+00> : vector<1024x64xf32>
    %dot_general3A_782 = tpu.matmul %convert_element_type3A_780, %get3A_4, %dot_general3A_781 {dimension_numbers = #tpu.dot_dimension_numbers<[1], [0], [0], [1], [0, 0, 1, 1], [], []>, transpose_lhs_hint = false} : vector<1024x64xbf16>, vector<64x64xbf16>, vector<1024x64xf32> -> vector<1024x64xf32>
    %slice3A_783 = vector.extract_strided_slice %exp3A_763 {offsets = [0, 64], sizes = [1024, 64], strides = [1, 1]} : vector<1024x128xf32> to vector<1024x64xf32>
    %mul3A_784 = arith.mulf %dot_general3A_782, %slice3A_783 : vector<1024x64xf32>
    %broadcast_in_dim3A_785 = vector.shape_cast %gt3A_779 : vector<1024x1xi1> to vector<1024x1xi1>
    %broadcast_in_dim3A_786 = vector.broadcast %broadcast_in_dim3A_785 : vector<1024x1xi1> to vector<1024x64xi1>
    %select_n3A_787 = arith.select %broadcast_in_dim3A_786, %mul3A_784, %select_n3A_774 : vector<1024x64xi1>, vector<1024x64xf32>
    %add3A_788 = arith.addf %select_n3A_776, %broadcast_in_dim3A_760 : vector<1024x1xf32>
    %select_n3A_789 = arith.select %gt3A_779, %add3A_788, %select_n3A_776 : vector<1024x1xi1>, vector<1024x1xf32>
    %reduce_sum3A_790 = arith.constant dense<0.000000e+00> : vector<1024xf32>
    %reduce_sum3A_791 = vector.multi_reduction <add>, %select_n3A_787, %reduce_sum3A_790 [1] : vector<1024x64xf32> to vector<1024xf32>
    %broadcast_in_dim3A_792 = vector.shape_cast %reduce_sum3A_791 : vector<1024xf32> to vector<1024x1xf32>
    %div3A_793 = arith.constant 1.000000e+00 : f32
    %div3A_794 = vector.broadcast %div3A_793 : f32 to vector<1024x1xf32>
    %div3A_795 = arith.divf %div3A_794, %broadcast_in_dim3A_792 : vector<1024x1xf32>
    %mul3A_796 = vector.broadcast %div3A_795 : vector<1024x1xf32> to vector<1024x64xf32>
    %mul3A_797 = arith.mulf %select_n3A_787, %mul3A_796 : vector<1024x64xf32>
    %log3A_798 = math.log %broadcast_in_dim3A_792 : vector<1024x1xf32>
    %add3A_799 = arith.addf %select_n3A_789, %log3A_798 : vector<1024x1xf32>
    %get3A_800 = arith.constant 0 : index
    %get3A_801 = arith.constant 2304 : index
    %get3A_802 = vector.load %arg1[%get3A_800, %get3A_801] : memref<1024x3200xf32, #tpu.memory_space<vmem>>, vector<1024x128xf32>
    %convert_element_type3A_803 = arith.truncf %get3A_802 : vector<1024x128xf32> to vector<1024x128xbf16>
    %dot_general3A_804 = arith.constant dense<0.000000e+00> : vector<1024x128xf32>
    %dot_general3A_805 = tpu.matmul %convert_element_type3A_803, %get3A_1, %dot_general3A_804 {dimension_numbers = #tpu.dot_dimension_numbers<[1], [0], [0], [1], [0, 0, 1, 1], [], []>, transpose_lhs_hint = false} : vector<1024x128xbf16>, vector<128x128xbf16>, vector<1024x128xf32> -> vector<1024x128xf32>
    %add3A_806 = vector.broadcast %get3A_7 : vector<1x128xf32> to vector<1024x128xf32>
    %add3A_807 = arith.addf %dot_general3A_805, %add3A_806 : vector<1024x128xf32>
    %reduce_max3A_808 = arith.constant dense<0xFF800000> : vector<1024xf32>
    %reduce_max3A_809 = vector.multi_reduction <maximumf>, %add3A_807, %reduce_max3A_808 [1] : vector<1024x128xf32> to vector<1024xf32>
    %broadcast_in_dim3A_810 = vector.shape_cast %reduce_max3A_809 : vector<1024xf32> to vector<1024x1xf32>
    %sub3A_811 = vector.broadcast %broadcast_in_dim3A_810 : vector<1024x1xf32> to vector<1024x128xf32>
    %sub3A_812 = arith.subf %add3A_807, %sub3A_811 : vector<1024x128xf32>
    %exp3A_813 = math.exp %sub3A_812 : vector<1024x128xf32>
    %gt3A_814 = arith.constant 36 : i32
    %gt3A_815 = vector.broadcast %gt3A_814 : i32 to vector<1024x1xi32>
    %gt3A_816 = arith.cmpi sgt, %get3A_10, %gt3A_815 : vector<1024x1xi32>
    %convert_element_type3A_817 = arith.truncf %mul3A_797 : vector<1024x64xf32> to vector<1024x64xbf16>
    %dot_general3A_818 = arith.constant dense<0.000000e+00> : vector<1024x64xf32>
    %dot_general3A_819 = tpu.matmul %convert_element_type3A_817, %get3A_4, %dot_general3A_818 {dimension_numbers = #tpu.dot_dimension_numbers<[1], [0], [0], [1], [0, 0, 1, 1], [], []>, transpose_lhs_hint = false} : vector<1024x64xbf16>, vector<64x64xbf16>, vector<1024x64xf32> -> vector<1024x64xf32>
    %slice3A_820 = vector.extract_strided_slice %exp3A_813 {offsets = [0, 0], sizes = [1024, 64], strides = [1, 1]} : vector<1024x128xf32> to vector<1024x64xf32>
    %mul3A_821 = arith.mulf %dot_general3A_819, %slice3A_820 : vector<1024x64xf32>
    %broadcast_in_dim3A_822 = vector.shape_cast %gt3A_816 : vector<1024x1xi1> to vector<1024x1xi1>
    %broadcast_in_dim3A_823 = vector.broadcast %broadcast_in_dim3A_822 : vector<1024x1xi1> to vector<1024x64xi1>
    %select_n3A_824 = arith.select %broadcast_in_dim3A_823, %mul3A_821, %mul3A_797 : vector<1024x64xi1>, vector<1024x64xf32>
    %add3A_825 = arith.addf %add3A_799, %broadcast_in_dim3A_810 : vector<1024x1xf32>
    %select_n3A_826 = arith.select %gt3A_816, %add3A_825, %add3A_799 : vector<1024x1xi1>, vector<1024x1xf32>
    %gt3A_827 = arith.constant 37 : i32
    %gt3A_828 = vector.broadcast %gt3A_827 : i32 to vector<1024x1xi32>
    %gt3A_829 = arith.cmpi sgt, %get3A_10, %gt3A_828 : vector<1024x1xi32>
    %convert_element_type3A_830 = arith.truncf %select_n3A_824 : vector<1024x64xf32> to vector<1024x64xbf16>
    %dot_general3A_831 = arith.constant dense<0.000000e+00> : vector<1024x64xf32>
    %dot_general3A_832 = tpu.matmul %convert_element_type3A_830, %get3A_4, %dot_general3A_831 {dimension_numbers = #tpu.dot_dimension_numbers<[1], [0], [0], [1], [0, 0, 1, 1], [], []>, transpose_lhs_hint = false} : vector<1024x64xbf16>, vector<64x64xbf16>, vector<1024x64xf32> -> vector<1024x64xf32>
    %slice3A_833 = vector.extract_strided_slice %exp3A_813 {offsets = [0, 64], sizes = [1024, 64], strides = [1, 1]} : vector<1024x128xf32> to vector<1024x64xf32>
    %mul3A_834 = arith.mulf %dot_general3A_832, %slice3A_833 : vector<1024x64xf32>
    %broadcast_in_dim3A_835 = vector.shape_cast %gt3A_829 : vector<1024x1xi1> to vector<1024x1xi1>
    %broadcast_in_dim3A_836 = vector.broadcast %broadcast_in_dim3A_835 : vector<1024x1xi1> to vector<1024x64xi1>
    %select_n3A_837 = arith.select %broadcast_in_dim3A_836, %mul3A_834, %select_n3A_824 : vector<1024x64xi1>, vector<1024x64xf32>
    %add3A_838 = arith.addf %select_n3A_826, %broadcast_in_dim3A_810 : vector<1024x1xf32>
    %select_n3A_839 = arith.select %gt3A_829, %add3A_838, %select_n3A_826 : vector<1024x1xi1>, vector<1024x1xf32>
    %get3A_840 = arith.constant 0 : index
    %get3A_841 = arith.constant 2432 : index
    %get3A_842 = vector.load %arg1[%get3A_840, %get3A_841] : memref<1024x3200xf32, #tpu.memory_space<vmem>>, vector<1024x128xf32>
    %convert_element_type3A_843 = arith.truncf %get3A_842 : vector<1024x128xf32> to vector<1024x128xbf16>
    %dot_general3A_844 = arith.constant dense<0.000000e+00> : vector<1024x128xf32>
    %dot_general3A_845 = tpu.matmul %convert_element_type3A_843, %get3A_1, %dot_general3A_844 {dimension_numbers = #tpu.dot_dimension_numbers<[1], [0], [0], [1], [0, 0, 1, 1], [], []>, transpose_lhs_hint = false} : vector<1024x128xbf16>, vector<128x128xbf16>, vector<1024x128xf32> -> vector<1024x128xf32>
    %add3A_846 = vector.broadcast %get3A_7 : vector<1x128xf32> to vector<1024x128xf32>
    %add3A_847 = arith.addf %dot_general3A_845, %add3A_846 : vector<1024x128xf32>
    %reduce_max3A_848 = arith.constant dense<0xFF800000> : vector<1024xf32>
    %reduce_max3A_849 = vector.multi_reduction <maximumf>, %add3A_847, %reduce_max3A_848 [1] : vector<1024x128xf32> to vector<1024xf32>
    %broadcast_in_dim3A_850 = vector.shape_cast %reduce_max3A_849 : vector<1024xf32> to vector<1024x1xf32>
    %sub3A_851 = vector.broadcast %broadcast_in_dim3A_850 : vector<1024x1xf32> to vector<1024x128xf32>
    %sub3A_852 = arith.subf %add3A_847, %sub3A_851 : vector<1024x128xf32>
    %exp3A_853 = math.exp %sub3A_852 : vector<1024x128xf32>
    %gt3A_854 = arith.constant 38 : i32
    %gt3A_855 = vector.broadcast %gt3A_854 : i32 to vector<1024x1xi32>
    %gt3A_856 = arith.cmpi sgt, %get3A_10, %gt3A_855 : vector<1024x1xi32>
    %convert_element_type3A_857 = arith.truncf %select_n3A_837 : vector<1024x64xf32> to vector<1024x64xbf16>
    %dot_general3A_858 = arith.constant dense<0.000000e+00> : vector<1024x64xf32>
    %dot_general3A_859 = tpu.matmul %convert_element_type3A_857, %get3A_4, %dot_general3A_858 {dimension_numbers = #tpu.dot_dimension_numbers<[1], [0], [0], [1], [0, 0, 1, 1], [], []>, transpose_lhs_hint = false} : vector<1024x64xbf16>, vector<64x64xbf16>, vector<1024x64xf32> -> vector<1024x64xf32>
    %slice3A_860 = vector.extract_strided_slice %exp3A_853 {offsets = [0, 0], sizes = [1024, 64], strides = [1, 1]} : vector<1024x128xf32> to vector<1024x64xf32>
    %mul3A_861 = arith.mulf %dot_general3A_859, %slice3A_860 : vector<1024x64xf32>
    %broadcast_in_dim3A_862 = vector.shape_cast %gt3A_856 : vector<1024x1xi1> to vector<1024x1xi1>
    %broadcast_in_dim3A_863 = vector.broadcast %broadcast_in_dim3A_862 : vector<1024x1xi1> to vector<1024x64xi1>
    %select_n3A_864 = arith.select %broadcast_in_dim3A_863, %mul3A_861, %select_n3A_837 : vector<1024x64xi1>, vector<1024x64xf32>
    %add3A_865 = arith.addf %select_n3A_839, %broadcast_in_dim3A_850 : vector<1024x1xf32>
    %select_n3A_866 = arith.select %gt3A_856, %add3A_865, %select_n3A_839 : vector<1024x1xi1>, vector<1024x1xf32>
    %gt3A_867 = arith.constant 39 : i32
    %gt3A_868 = vector.broadcast %gt3A_867 : i32 to vector<1024x1xi32>
    %gt3A_869 = arith.cmpi sgt, %get3A_10, %gt3A_868 : vector<1024x1xi32>
    %convert_element_type3A_870 = arith.truncf %select_n3A_864 : vector<1024x64xf32> to vector<1024x64xbf16>
    %dot_general3A_871 = arith.constant dense<0.000000e+00> : vector<1024x64xf32>
    %dot_general3A_872 = tpu.matmul %convert_element_type3A_870, %get3A_4, %dot_general3A_871 {dimension_numbers = #tpu.dot_dimension_numbers<[1], [0], [0], [1], [0, 0, 1, 1], [], []>, transpose_lhs_hint = false} : vector<1024x64xbf16>, vector<64x64xbf16>, vector<1024x64xf32> -> vector<1024x64xf32>
    %slice3A_873 = vector.extract_strided_slice %exp3A_853 {offsets = [0, 64], sizes = [1024, 64], strides = [1, 1]} : vector<1024x128xf32> to vector<1024x64xf32>
    %mul3A_874 = arith.mulf %dot_general3A_872, %slice3A_873 : vector<1024x64xf32>
    %broadcast_in_dim3A_875 = vector.shape_cast %gt3A_869 : vector<1024x1xi1> to vector<1024x1xi1>
    %broadcast_in_dim3A_876 = vector.broadcast %broadcast_in_dim3A_875 : vector<1024x1xi1> to vector<1024x64xi1>
    %select_n3A_877 = arith.select %broadcast_in_dim3A_876, %mul3A_874, %select_n3A_864 : vector<1024x64xi1>, vector<1024x64xf32>
    %add3A_878 = arith.addf %select_n3A_866, %broadcast_in_dim3A_850 : vector<1024x1xf32>
    %select_n3A_879 = arith.select %gt3A_869, %add3A_878, %select_n3A_866 : vector<1024x1xi1>, vector<1024x1xf32>
    %reduce_sum3A_880 = arith.constant dense<0.000000e+00> : vector<1024xf32>
    %reduce_sum3A_881 = vector.multi_reduction <add>, %select_n3A_877, %reduce_sum3A_880 [1] : vector<1024x64xf32> to vector<1024xf32>
    %broadcast_in_dim3A_882 = vector.shape_cast %reduce_sum3A_881 : vector<1024xf32> to vector<1024x1xf32>
    %div3A_883 = arith.constant 1.000000e+00 : f32
    %div3A_884 = vector.broadcast %div3A_883 : f32 to vector<1024x1xf32>
    %div3A_885 = arith.divf %div3A_884, %broadcast_in_dim3A_882 : vector<1024x1xf32>
    %mul3A_886 = vector.broadcast %div3A_885 : vector<1024x1xf32> to vector<1024x64xf32>
    %mul3A_887 = arith.mulf %select_n3A_877, %mul3A_886 : vector<1024x64xf32>
    %log3A_888 = math.log %broadcast_in_dim3A_882 : vector<1024x1xf32>
    %add3A_889 = arith.addf %select_n3A_879, %log3A_888 : vector<1024x1xf32>
    %get3A_890 = arith.constant 0 : index
    %get3A_891 = arith.constant 2560 : index
    %get3A_892 = vector.load %arg1[%get3A_890, %get3A_891] : memref<1024x3200xf32, #tpu.memory_space<vmem>>, vector<1024x128xf32>
    %convert_element_type3A_893 = arith.truncf %get3A_892 : vector<1024x128xf32> to vector<1024x128xbf16>
    %dot_general3A_894 = arith.constant dense<0.000000e+00> : vector<1024x128xf32>
    %dot_general3A_895 = tpu.matmul %convert_element_type3A_893, %get3A_1, %dot_general3A_894 {dimension_numbers = #tpu.dot_dimension_numbers<[1], [0], [0], [1], [0, 0, 1, 1], [], []>, transpose_lhs_hint = false} : vector<1024x128xbf16>, vector<128x128xbf16>, vector<1024x128xf32> -> vector<1024x128xf32>
    %add3A_896 = vector.broadcast %get3A_7 : vector<1x128xf32> to vector<1024x128xf32>
    %add3A_897 = arith.addf %dot_general3A_895, %add3A_896 : vector<1024x128xf32>
    %reduce_max3A_898 = arith.constant dense<0xFF800000> : vector<1024xf32>
    %reduce_max3A_899 = vector.multi_reduction <maximumf>, %add3A_897, %reduce_max3A_898 [1] : vector<1024x128xf32> to vector<1024xf32>
    %broadcast_in_dim3A_900 = vector.shape_cast %reduce_max3A_899 : vector<1024xf32> to vector<1024x1xf32>
    %sub3A_901 = vector.broadcast %broadcast_in_dim3A_900 : vector<1024x1xf32> to vector<1024x128xf32>
    %sub3A_902 = arith.subf %add3A_897, %sub3A_901 : vector<1024x128xf32>
    %exp3A_903 = math.exp %sub3A_902 : vector<1024x128xf32>
    %gt3A_904 = arith.constant 40 : i32
    %gt3A_905 = vector.broadcast %gt3A_904 : i32 to vector<1024x1xi32>
    %gt3A_906 = arith.cmpi sgt, %get3A_10, %gt3A_905 : vector<1024x1xi32>
    %convert_element_type3A_907 = arith.truncf %mul3A_887 : vector<1024x64xf32> to vector<1024x64xbf16>
    %dot_general3A_908 = arith.constant dense<0.000000e+00> : vector<1024x64xf32>
    %dot_general3A_909 = tpu.matmul %convert_element_type3A_907, %get3A_4, %dot_general3A_908 {dimension_numbers = #tpu.dot_dimension_numbers<[1], [0], [0], [1], [0, 0, 1, 1], [], []>, transpose_lhs_hint = false} : vector<1024x64xbf16>, vector<64x64xbf16>, vector<1024x64xf32> -> vector<1024x64xf32>
    %slice3A_910 = vector.extract_strided_slice %exp3A_903 {offsets = [0, 0], sizes = [1024, 64], strides = [1, 1]} : vector<1024x128xf32> to vector<1024x64xf32>
    %mul3A_911 = arith.mulf %dot_general3A_909, %slice3A_910 : vector<1024x64xf32>
    %broadcast_in_dim3A_912 = vector.shape_cast %gt3A_906 : vector<1024x1xi1> to vector<1024x1xi1>
    %broadcast_in_dim3A_913 = vector.broadcast %broadcast_in_dim3A_912 : vector<1024x1xi1> to vector<1024x64xi1>
    %select_n3A_914 = arith.select %broadcast_in_dim3A_913, %mul3A_911, %mul3A_887 : vector<1024x64xi1>, vector<1024x64xf32>
    %add3A_915 = arith.addf %add3A_889, %broadcast_in_dim3A_900 : vector<1024x1xf32>
    %select_n3A_916 = arith.select %gt3A_906, %add3A_915, %add3A_889 : vector<1024x1xi1>, vector<1024x1xf32>
    %gt3A_917 = arith.constant 41 : i32
    %gt3A_918 = vector.broadcast %gt3A_917 : i32 to vector<1024x1xi32>
    %gt3A_919 = arith.cmpi sgt, %get3A_10, %gt3A_918 : vector<1024x1xi32>
    %convert_element_type3A_920 = arith.truncf %select_n3A_914 : vector<1024x64xf32> to vector<1024x64xbf16>
    %dot_general3A_921 = arith.constant dense<0.000000e+00> : vector<1024x64xf32>
    %dot_general3A_922 = tpu.matmul %convert_element_type3A_920, %get3A_4, %dot_general3A_921 {dimension_numbers = #tpu.dot_dimension_numbers<[1], [0], [0], [1], [0, 0, 1, 1], [], []>, transpose_lhs_hint = false} : vector<1024x64xbf16>, vector<64x64xbf16>, vector<1024x64xf32> -> vector<1024x64xf32>
    %slice3A_923 = vector.extract_strided_slice %exp3A_903 {offsets = [0, 64], sizes = [1024, 64], strides = [1, 1]} : vector<1024x128xf32> to vector<1024x64xf32>
    %mul3A_924 = arith.mulf %dot_general3A_922, %slice3A_923 : vector<1024x64xf32>
    %broadcast_in_dim3A_925 = vector.shape_cast %gt3A_919 : vector<1024x1xi1> to vector<1024x1xi1>
    %broadcast_in_dim3A_926 = vector.broadcast %broadcast_in_dim3A_925 : vector<1024x1xi1> to vector<1024x64xi1>
    %select_n3A_927 = arith.select %broadcast_in_dim3A_926, %mul3A_924, %select_n3A_914 : vector<1024x64xi1>, vector<1024x64xf32>
    %add3A_928 = arith.addf %select_n3A_916, %broadcast_in_dim3A_900 : vector<1024x1xf32>
    %select_n3A_929 = arith.select %gt3A_919, %add3A_928, %select_n3A_916 : vector<1024x1xi1>, vector<1024x1xf32>
    %get3A_930 = arith.constant 0 : index
    %get3A_931 = arith.constant 2688 : index
    %get3A_932 = vector.load %arg1[%get3A_930, %get3A_931] : memref<1024x3200xf32, #tpu.memory_space<vmem>>, vector<1024x128xf32>
    %convert_element_type3A_933 = arith.truncf %get3A_932 : vector<1024x128xf32> to vector<1024x128xbf16>
    %dot_general3A_934 = arith.constant dense<0.000000e+00> : vector<1024x128xf32>
    %dot_general3A_935 = tpu.matmul %convert_element_type3A_933, %get3A_1, %dot_general3A_934 {dimension_numbers = #tpu.dot_dimension_numbers<[1], [0], [0], [1], [0, 0, 1, 1], [], []>, transpose_lhs_hint = false} : vector<1024x128xbf16>, vector<128x128xbf16>, vector<1024x128xf32> -> vector<1024x128xf32>
    %add3A_936 = vector.broadcast %get3A_7 : vector<1x128xf32> to vector<1024x128xf32>
    %add3A_937 = arith.addf %dot_general3A_935, %add3A_936 : vector<1024x128xf32>
    %reduce_max3A_938 = arith.constant dense<0xFF800000> : vector<1024xf32>
    %reduce_max3A_939 = vector.multi_reduction <maximumf>, %add3A_937, %reduce_max3A_938 [1] : vector<1024x128xf32> to vector<1024xf32>
    %broadcast_in_dim3A_940 = vector.shape_cast %reduce_max3A_939 : vector<1024xf32> to vector<1024x1xf32>
    %sub3A_941 = vector.broadcast %broadcast_in_dim3A_940 : vector<1024x1xf32> to vector<1024x128xf32>
    %sub3A_942 = arith.subf %add3A_937, %sub3A_941 : vector<1024x128xf32>
    %exp3A_943 = math.exp %sub3A_942 : vector<1024x128xf32>
    %gt3A_944 = arith.constant 42 : i32
    %gt3A_945 = vector.broadcast %gt3A_944 : i32 to vector<1024x1xi32>
    %gt3A_946 = arith.cmpi sgt, %get3A_10, %gt3A_945 : vector<1024x1xi32>
    %convert_element_type3A_947 = arith.truncf %select_n3A_927 : vector<1024x64xf32> to vector<1024x64xbf16>
    %dot_general3A_948 = arith.constant dense<0.000000e+00> : vector<1024x64xf32>
    %dot_general3A_949 = tpu.matmul %convert_element_type3A_947, %get3A_4, %dot_general3A_948 {dimension_numbers = #tpu.dot_dimension_numbers<[1], [0], [0], [1], [0, 0, 1, 1], [], []>, transpose_lhs_hint = false} : vector<1024x64xbf16>, vector<64x64xbf16>, vector<1024x64xf32> -> vector<1024x64xf32>
    %slice3A_950 = vector.extract_strided_slice %exp3A_943 {offsets = [0, 0], sizes = [1024, 64], strides = [1, 1]} : vector<1024x128xf32> to vector<1024x64xf32>
    %mul3A_951 = arith.mulf %dot_general3A_949, %slice3A_950 : vector<1024x64xf32>
    %broadcast_in_dim3A_952 = vector.shape_cast %gt3A_946 : vector<1024x1xi1> to vector<1024x1xi1>
    %broadcast_in_dim3A_953 = vector.broadcast %broadcast_in_dim3A_952 : vector<1024x1xi1> to vector<1024x64xi1>
    %select_n3A_954 = arith.select %broadcast_in_dim3A_953, %mul3A_951, %select_n3A_927 : vector<1024x64xi1>, vector<1024x64xf32>
    %add3A_955 = arith.addf %select_n3A_929, %broadcast_in_dim3A_940 : vector<1024x1xf32>
    %select_n3A_956 = arith.select %gt3A_946, %add3A_955, %select_n3A_929 : vector<1024x1xi1>, vector<1024x1xf32>
    %gt3A_957 = arith.constant 43 : i32
    %gt3A_958 = vector.broadcast %gt3A_957 : i32 to vector<1024x1xi32>
    %gt3A_959 = arith.cmpi sgt, %get3A_10, %gt3A_958 : vector<1024x1xi32>
    %convert_element_type3A_960 = arith.truncf %select_n3A_954 : vector<1024x64xf32> to vector<1024x64xbf16>
    %dot_general3A_961 = arith.constant dense<0.000000e+00> : vector<1024x64xf32>
    %dot_general3A_962 = tpu.matmul %convert_element_type3A_960, %get3A_4, %dot_general3A_961 {dimension_numbers = #tpu.dot_dimension_numbers<[1], [0], [0], [1], [0, 0, 1, 1], [], []>, transpose_lhs_hint = false} : vector<1024x64xbf16>, vector<64x64xbf16>, vector<1024x64xf32> -> vector<1024x64xf32>
    %slice3A_963 = vector.extract_strided_slice %exp3A_943 {offsets = [0, 64], sizes = [1024, 64], strides = [1, 1]} : vector<1024x128xf32> to vector<1024x64xf32>
    %mul3A_964 = arith.mulf %dot_general3A_962, %slice3A_963 : vector<1024x64xf32>
    %broadcast_in_dim3A_965 = vector.shape_cast %gt3A_959 : vector<1024x1xi1> to vector<1024x1xi1>
    %broadcast_in_dim3A_966 = vector.broadcast %broadcast_in_dim3A_965 : vector<1024x1xi1> to vector<1024x64xi1>
    %select_n3A_967 = arith.select %broadcast_in_dim3A_966, %mul3A_964, %select_n3A_954 : vector<1024x64xi1>, vector<1024x64xf32>
    %add3A_968 = arith.addf %select_n3A_956, %broadcast_in_dim3A_940 : vector<1024x1xf32>
    %select_n3A_969 = arith.select %gt3A_959, %add3A_968, %select_n3A_956 : vector<1024x1xi1>, vector<1024x1xf32>
    %reduce_sum3A_970 = arith.constant dense<0.000000e+00> : vector<1024xf32>
    %reduce_sum3A_971 = vector.multi_reduction <add>, %select_n3A_967, %reduce_sum3A_970 [1] : vector<1024x64xf32> to vector<1024xf32>
    %broadcast_in_dim3A_972 = vector.shape_cast %reduce_sum3A_971 : vector<1024xf32> to vector<1024x1xf32>
    %div3A_973 = arith.constant 1.000000e+00 : f32
    %div3A_974 = vector.broadcast %div3A_973 : f32 to vector<1024x1xf32>
    %div3A_975 = arith.divf %div3A_974, %broadcast_in_dim3A_972 : vector<1024x1xf32>
    %mul3A_976 = vector.broadcast %div3A_975 : vector<1024x1xf32> to vector<1024x64xf32>
    %mul3A_977 = arith.mulf %select_n3A_967, %mul3A_976 : vector<1024x64xf32>
    %log3A_978 = math.log %broadcast_in_dim3A_972 : vector<1024x1xf32>
    %add3A_979 = arith.addf %select_n3A_969, %log3A_978 : vector<1024x1xf32>
    %get3A_980 = arith.constant 0 : index
    %get3A_981 = arith.constant 2816 : index
    %get3A_982 = vector.load %arg1[%get3A_980, %get3A_981] : memref<1024x3200xf32, #tpu.memory_space<vmem>>, vector<1024x128xf32>
    %convert_element_type3A_983 = arith.truncf %get3A_982 : vector<1024x128xf32> to vector<1024x128xbf16>
    %dot_general3A_984 = arith.constant dense<0.000000e+00> : vector<1024x128xf32>
    %dot_general3A_985 = tpu.matmul %convert_element_type3A_983, %get3A_1, %dot_general3A_984 {dimension_numbers = #tpu.dot_dimension_numbers<[1], [0], [0], [1], [0, 0, 1, 1], [], []>, transpose_lhs_hint = false} : vector<1024x128xbf16>, vector<128x128xbf16>, vector<1024x128xf32> -> vector<1024x128xf32>
    %add3A_986 = vector.broadcast %get3A_7 : vector<1x128xf32> to vector<1024x128xf32>
    %add3A_987 = arith.addf %dot_general3A_985, %add3A_986 : vector<1024x128xf32>
    %reduce_max3A_988 = arith.constant dense<0xFF800000> : vector<1024xf32>
    %reduce_max3A_989 = vector.multi_reduction <maximumf>, %add3A_987, %reduce_max3A_988 [1] : vector<1024x128xf32> to vector<1024xf32>
    %broadcast_in_dim3A_990 = vector.shape_cast %reduce_max3A_989 : vector<1024xf32> to vector<1024x1xf32>
    %sub3A_991 = vector.broadcast %broadcast_in_dim3A_990 : vector<1024x1xf32> to vector<1024x128xf32>
    %sub3A_992 = arith.subf %add3A_987, %sub3A_991 : vector<1024x128xf32>
    %exp3A_993 = math.exp %sub3A_992 : vector<1024x128xf32>
    %gt3A_994 = arith.constant 44 : i32
    %gt3A_995 = vector.broadcast %gt3A_994 : i32 to vector<1024x1xi32>
    %gt3A_996 = arith.cmpi sgt, %get3A_10, %gt3A_995 : vector<1024x1xi32>
    %convert_element_type3A_997 = arith.truncf %mul3A_977 : vector<1024x64xf32> to vector<1024x64xbf16>
    %dot_general3A_998 = arith.constant dense<0.000000e+00> : vector<1024x64xf32>
    %dot_general3A_999 = tpu.matmul %convert_element_type3A_997, %get3A_4, %dot_general3A_998 {dimension_numbers = #tpu.dot_dimension_numbers<[1], [0], [0], [1], [0, 0, 1, 1], [], []>, transpose_lhs_hint = false} : vector<1024x64xbf16>, vector<64x64xbf16>, vector<1024x64xf32> -> vector<1024x64xf32>
    %slice3A_1000 = vector.extract_strided_slice %exp3A_993 {offsets = [0, 0], sizes = [1024, 64], strides = [1, 1]} : vector<1024x128xf32> to vector<1024x64xf32>
    %mul3A_1001 = arith.mulf %dot_general3A_999, %slice3A_1000 : vector<1024x64xf32>
    %broadcast_in_dim3A_1002 = vector.shape_cast %gt3A_996 : vector<1024x1xi1> to vector<1024x1xi1>
    %broadcast_in_dim3A_1003 = vector.broadcast %broadcast_in_dim3A_1002 : vector<1024x1xi1> to vector<1024x64xi1>
    %select_n3A_1004 = arith.select %broadcast_in_dim3A_1003, %mul3A_1001, %mul3A_977 : vector<1024x64xi1>, vector<1024x64xf32>
    %add3A_1005 = arith.addf %add3A_979, %broadcast_in_dim3A_990 : vector<1024x1xf32>
    %select_n3A_1006 = arith.select %gt3A_996, %add3A_1005, %add3A_979 : vector<1024x1xi1>, vector<1024x1xf32>
    %gt3A_1007 = arith.constant 45 : i32
    %gt3A_1008 = vector.broadcast %gt3A_1007 : i32 to vector<1024x1xi32>
    %gt3A_1009 = arith.cmpi sgt, %get3A_10, %gt3A_1008 : vector<1024x1xi32>
    %convert_element_type3A_1010 = arith.truncf %select_n3A_1004 : vector<1024x64xf32> to vector<1024x64xbf16>
    %dot_general3A_1011 = arith.constant dense<0.000000e+00> : vector<1024x64xf32>
    %dot_general3A_1012 = tpu.matmul %convert_element_type3A_1010, %get3A_4, %dot_general3A_1011 {dimension_numbers = #tpu.dot_dimension_numbers<[1], [0], [0], [1], [0, 0, 1, 1], [], []>, transpose_lhs_hint = false} : vector<1024x64xbf16>, vector<64x64xbf16>, vector<1024x64xf32> -> vector<1024x64xf32>
    %slice3A_1013 = vector.extract_strided_slice %exp3A_993 {offsets = [0, 64], sizes = [1024, 64], strides = [1, 1]} : vector<1024x128xf32> to vector<1024x64xf32>
    %mul3A_1014 = arith.mulf %dot_general3A_1012, %slice3A_1013 : vector<1024x64xf32>
    %broadcast_in_dim3A_1015 = vector.shape_cast %gt3A_1009 : vector<1024x1xi1> to vector<1024x1xi1>
    %broadcast_in_dim3A_1016 = vector.broadcast %broadcast_in_dim3A_1015 : vector<1024x1xi1> to vector<1024x64xi1>
    %select_n3A_1017 = arith.select %broadcast_in_dim3A_1016, %mul3A_1014, %select_n3A_1004 : vector<1024x64xi1>, vector<1024x64xf32>
    %add3A_1018 = arith.addf %select_n3A_1006, %broadcast_in_dim3A_990 : vector<1024x1xf32>
    %select_n3A_1019 = arith.select %gt3A_1009, %add3A_1018, %select_n3A_1006 : vector<1024x1xi1>, vector<1024x1xf32>
    %get3A_1020 = arith.constant 0 : index
    %get3A_1021 = arith.constant 2944 : index
    %get3A_1022 = vector.load %arg1[%get3A_1020, %get3A_1021] : memref<1024x3200xf32, #tpu.memory_space<vmem>>, vector<1024x128xf32>
    %convert_element_type3A_1023 = arith.truncf %get3A_1022 : vector<1024x128xf32> to vector<1024x128xbf16>
    %dot_general3A_1024 = arith.constant dense<0.000000e+00> : vector<1024x128xf32>
    %dot_general3A_1025 = tpu.matmul %convert_element_type3A_1023, %get3A_1, %dot_general3A_1024 {dimension_numbers = #tpu.dot_dimension_numbers<[1], [0], [0], [1], [0, 0, 1, 1], [], []>, transpose_lhs_hint = false} : vector<1024x128xbf16>, vector<128x128xbf16>, vector<1024x128xf32> -> vector<1024x128xf32>
    %add3A_1026 = vector.broadcast %get3A_7 : vector<1x128xf32> to vector<1024x128xf32>
    %add3A_1027 = arith.addf %dot_general3A_1025, %add3A_1026 : vector<1024x128xf32>
    %reduce_max3A_1028 = arith.constant dense<0xFF800000> : vector<1024xf32>
    %reduce_max3A_1029 = vector.multi_reduction <maximumf>, %add3A_1027, %reduce_max3A_1028 [1] : vector<1024x128xf32> to vector<1024xf32>
    %broadcast_in_dim3A_1030 = vector.shape_cast %reduce_max3A_1029 : vector<1024xf32> to vector<1024x1xf32>
    %sub3A_1031 = vector.broadcast %broadcast_in_dim3A_1030 : vector<1024x1xf32> to vector<1024x128xf32>
    %sub3A_1032 = arith.subf %add3A_1027, %sub3A_1031 : vector<1024x128xf32>
    %exp3A_1033 = math.exp %sub3A_1032 : vector<1024x128xf32>
    %gt3A_1034 = arith.constant 46 : i32
    %gt3A_1035 = vector.broadcast %gt3A_1034 : i32 to vector<1024x1xi32>
    %gt3A_1036 = arith.cmpi sgt, %get3A_10, %gt3A_1035 : vector<1024x1xi32>
    %convert_element_type3A_1037 = arith.truncf %select_n3A_1017 : vector<1024x64xf32> to vector<1024x64xbf16>
    %dot_general3A_1038 = arith.constant dense<0.000000e+00> : vector<1024x64xf32>
    %dot_general3A_1039 = tpu.matmul %convert_element_type3A_1037, %get3A_4, %dot_general3A_1038 {dimension_numbers = #tpu.dot_dimension_numbers<[1], [0], [0], [1], [0, 0, 1, 1], [], []>, transpose_lhs_hint = false} : vector<1024x64xbf16>, vector<64x64xbf16>, vector<1024x64xf32> -> vector<1024x64xf32>
    %slice3A_1040 = vector.extract_strided_slice %exp3A_1033 {offsets = [0, 0], sizes = [1024, 64], strides = [1, 1]} : vector<1024x128xf32> to vector<1024x64xf32>
    %mul3A_1041 = arith.mulf %dot_general3A_1039, %slice3A_1040 : vector<1024x64xf32>
    %broadcast_in_dim3A_1042 = vector.shape_cast %gt3A_1036 : vector<1024x1xi1> to vector<1024x1xi1>
    %broadcast_in_dim3A_1043 = vector.broadcast %broadcast_in_dim3A_1042 : vector<1024x1xi1> to vector<1024x64xi1>
    %select_n3A_1044 = arith.select %broadcast_in_dim3A_1043, %mul3A_1041, %select_n3A_1017 : vector<1024x64xi1>, vector<1024x64xf32>
    %add3A_1045 = arith.addf %select_n3A_1019, %broadcast_in_dim3A_1030 : vector<1024x1xf32>
    %select_n3A_1046 = arith.select %gt3A_1036, %add3A_1045, %select_n3A_1019 : vector<1024x1xi1>, vector<1024x1xf32>
    %gt3A_1047 = arith.constant 47 : i32
    %gt3A_1048 = vector.broadcast %gt3A_1047 : i32 to vector<1024x1xi32>
    %gt3A_1049 = arith.cmpi sgt, %get3A_10, %gt3A_1048 : vector<1024x1xi32>
    %convert_element_type3A_1050 = arith.truncf %select_n3A_1044 : vector<1024x64xf32> to vector<1024x64xbf16>
    %dot_general3A_1051 = arith.constant dense<0.000000e+00> : vector<1024x64xf32>
    %dot_general3A_1052 = tpu.matmul %convert_element_type3A_1050, %get3A_4, %dot_general3A_1051 {dimension_numbers = #tpu.dot_dimension_numbers<[1], [0], [0], [1], [0, 0, 1, 1], [], []>, transpose_lhs_hint = false} : vector<1024x64xbf16>, vector<64x64xbf16>, vector<1024x64xf32> -> vector<1024x64xf32>
    %slice3A_1053 = vector.extract_strided_slice %exp3A_1033 {offsets = [0, 64], sizes = [1024, 64], strides = [1, 1]} : vector<1024x128xf32> to vector<1024x64xf32>
    %mul3A_1054 = arith.mulf %dot_general3A_1052, %slice3A_1053 : vector<1024x64xf32>
    %broadcast_in_dim3A_1055 = vector.shape_cast %gt3A_1049 : vector<1024x1xi1> to vector<1024x1xi1>
    %broadcast_in_dim3A_1056 = vector.broadcast %broadcast_in_dim3A_1055 : vector<1024x1xi1> to vector<1024x64xi1>
    %select_n3A_1057 = arith.select %broadcast_in_dim3A_1056, %mul3A_1054, %select_n3A_1044 : vector<1024x64xi1>, vector<1024x64xf32>
    %add3A_1058 = arith.addf %select_n3A_1046, %broadcast_in_dim3A_1030 : vector<1024x1xf32>
    %select_n3A_1059 = arith.select %gt3A_1049, %add3A_1058, %select_n3A_1046 : vector<1024x1xi1>, vector<1024x1xf32>
    %reduce_sum3A_1060 = arith.constant dense<0.000000e+00> : vector<1024xf32>
    %reduce_sum3A_1061 = vector.multi_reduction <add>, %select_n3A_1057, %reduce_sum3A_1060 [1] : vector<1024x64xf32> to vector<1024xf32>
    %broadcast_in_dim3A_1062 = vector.shape_cast %reduce_sum3A_1061 : vector<1024xf32> to vector<1024x1xf32>
    %div3A_1063 = arith.constant 1.000000e+00 : f32
    %div3A_1064 = vector.broadcast %div3A_1063 : f32 to vector<1024x1xf32>
    %div3A_1065 = arith.divf %div3A_1064, %broadcast_in_dim3A_1062 : vector<1024x1xf32>
    %mul3A_1066 = vector.broadcast %div3A_1065 : vector<1024x1xf32> to vector<1024x64xf32>
    %mul3A_1067 = arith.mulf %select_n3A_1057, %mul3A_1066 : vector<1024x64xf32>
    %log3A_1068 = math.log %broadcast_in_dim3A_1062 : vector<1024x1xf32>
    %add3A_1069 = arith.addf %select_n3A_1059, %log3A_1068 : vector<1024x1xf32>
    %get3A_1070 = arith.constant 0 : index
    %get3A_1071 = arith.constant 3072 : index
    %get3A_1072 = vector.load %arg1[%get3A_1070, %get3A_1071] : memref<1024x3200xf32, #tpu.memory_space<vmem>>, vector<1024x128xf32>
    %convert_element_type3A_1073 = arith.truncf %get3A_1072 : vector<1024x128xf32> to vector<1024x128xbf16>
    %dot_general3A_1074 = arith.constant dense<0.000000e+00> : vector<1024x128xf32>
    %dot_general3A_1075 = tpu.matmul %convert_element_type3A_1073, %get3A_1, %dot_general3A_1074 {dimension_numbers = #tpu.dot_dimension_numbers<[1], [0], [0], [1], [0, 0, 1, 1], [], []>, transpose_lhs_hint = false} : vector<1024x128xbf16>, vector<128x128xbf16>, vector<1024x128xf32> -> vector<1024x128xf32>
    %add3A_1076 = vector.broadcast %get3A_7 : vector<1x128xf32> to vector<1024x128xf32>
    %add3A_1077 = arith.addf %dot_general3A_1075, %add3A_1076 : vector<1024x128xf32>
    %reduce_max3A_1078 = arith.constant dense<0xFF800000> : vector<1024xf32>
    %reduce_max3A_1079 = vector.multi_reduction <maximumf>, %add3A_1077, %reduce_max3A_1078 [1] : vector<1024x128xf32> to vector<1024xf32>
    %broadcast_in_dim3A_1080 = vector.shape_cast %reduce_max3A_1079 : vector<1024xf32> to vector<1024x1xf32>
    %sub3A_1081 = vector.broadcast %broadcast_in_dim3A_1080 : vector<1024x1xf32> to vector<1024x128xf32>
    %sub3A_1082 = arith.subf %add3A_1077, %sub3A_1081 : vector<1024x128xf32>
    %exp3A_1083 = math.exp %sub3A_1082 : vector<1024x128xf32>
    %gt3A_1084 = arith.constant 48 : i32
    %gt3A_1085 = vector.broadcast %gt3A_1084 : i32 to vector<1024x1xi32>
    %gt3A_1086 = arith.cmpi sgt, %get3A_10, %gt3A_1085 : vector<1024x1xi32>
    %convert_element_type3A_1087 = arith.truncf %mul3A_1067 : vector<1024x64xf32> to vector<1024x64xbf16>
    %dot_general3A_1088 = arith.constant dense<0.000000e+00> : vector<1024x64xf32>
    %dot_general3A_1089 = tpu.matmul %convert_element_type3A_1087, %get3A_4, %dot_general3A_1088 {dimension_numbers = #tpu.dot_dimension_numbers<[1], [0], [0], [1], [0, 0, 1, 1], [], []>, transpose_lhs_hint = false} : vector<1024x64xbf16>, vector<64x64xbf16>, vector<1024x64xf32> -> vector<1024x64xf32>
    %slice3A_1090 = vector.extract_strided_slice %exp3A_1083 {offsets = [0, 0], sizes = [1024, 64], strides = [1, 1]} : vector<1024x128xf32> to vector<1024x64xf32>
    %mul3A_1091 = arith.mulf %dot_general3A_1089, %slice3A_1090 : vector<1024x64xf32>
    %broadcast_in_dim3A_1092 = vector.shape_cast %gt3A_1086 : vector<1024x1xi1> to vector<1024x1xi1>
    %broadcast_in_dim3A_1093 = vector.broadcast %broadcast_in_dim3A_1092 : vector<1024x1xi1> to vector<1024x64xi1>
    %select_n3A_1094 = arith.select %broadcast_in_dim3A_1093, %mul3A_1091, %mul3A_1067 : vector<1024x64xi1>, vector<1024x64xf32>
    %add3A_1095 = arith.addf %add3A_1069, %broadcast_in_dim3A_1080 : vector<1024x1xf32>
    %select_n3A_1096 = arith.select %gt3A_1086, %add3A_1095, %add3A_1069 : vector<1024x1xi1>, vector<1024x1xf32>
    %gt3A_1097 = arith.constant 49 : i32
    %gt3A_1098 = vector.broadcast %gt3A_1097 : i32 to vector<1024x1xi32>
    %gt3A_1099 = arith.cmpi sgt, %get3A_10, %gt3A_1098 : vector<1024x1xi32>
    %convert_element_type3A_1100 = arith.truncf %select_n3A_1094 : vector<1024x64xf32> to vector<1024x64xbf16>
    %dot_general3A_1101 = arith.constant dense<0.000000e+00> : vector<1024x64xf32>
    %dot_general3A_1102 = tpu.matmul %convert_element_type3A_1100, %get3A_4, %dot_general3A_1101 {dimension_numbers = #tpu.dot_dimension_numbers<[1], [0], [0], [1], [0, 0, 1, 1], [], []>, transpose_lhs_hint = false} : vector<1024x64xbf16>, vector<64x64xbf16>, vector<1024x64xf32> -> vector<1024x64xf32>
    %slice3A_1103 = vector.extract_strided_slice %exp3A_1083 {offsets = [0, 64], sizes = [1024, 64], strides = [1, 1]} : vector<1024x128xf32> to vector<1024x64xf32>
    %mul3A_1104 = arith.mulf %dot_general3A_1102, %slice3A_1103 : vector<1024x64xf32>
    %broadcast_in_dim3A_1105 = vector.shape_cast %gt3A_1099 : vector<1024x1xi1> to vector<1024x1xi1>
    %broadcast_in_dim3A_1106 = vector.broadcast %broadcast_in_dim3A_1105 : vector<1024x1xi1> to vector<1024x64xi1>
    %select_n3A_1107 = arith.select %broadcast_in_dim3A_1106, %mul3A_1104, %select_n3A_1094 : vector<1024x64xi1>, vector<1024x64xf32>
    %add3A_1108 = arith.addf %select_n3A_1096, %broadcast_in_dim3A_1080 : vector<1024x1xf32>
    %select_n3A_1109 = arith.select %gt3A_1099, %add3A_1108, %select_n3A_1096 : vector<1024x1xi1>, vector<1024x1xf32>
    %reduce_sum3A_1110 = arith.constant dense<0.000000e+00> : vector<1024xf32>
    %reduce_sum3A_1111 = vector.multi_reduction <add>, %select_n3A_1107, %reduce_sum3A_1110 [1] : vector<1024x64xf32> to vector<1024xf32>
    %broadcast_in_dim3A_1112 = vector.shape_cast %reduce_sum3A_1111 : vector<1024xf32> to vector<1024x1xf32>
    %log3A_1113 = math.log %broadcast_in_dim3A_1112 : vector<1024x1xf32>
    %add3A_1114 = arith.addf %select_n3A_1109, %log3A_1113 : vector<1024x1xf32>
    %swap3A = arith.constant 0 : index
    %swap3A_1115 = arith.constant 0 : index
    %swap3A_1116 = vector.load %arg7[%swap3A, %swap3A_1115] : memref<1024x1xf32, #tpu.memory_space<vmem>>, vector<1024x1xf32>
    tpu.vector_store %arg7[%swap3A, %swap3A_1115], %add3A_1114 {strides = array<i32>} : memref<1024x1xf32, #tpu.memory_space<vmem>>, vector<1024x1xf32>,
    return
  }
  func.func @transform_0(%arg0: i32) -> (i32, i32) {
    %c0_i32 = arith.constant 0 : i32
    %c0_i32_0 = arith.constant 0 : i32
    return %arg0, %c0_i32 : i32, i32
  }
  func.func @transform_1(%arg0: i32) -> (i32, i32) {
    %c0_i32 = arith.constant 0 : i32
    %c0_i32_0 = arith.constant 0 : i32
    return %arg0, %c0_i32 : i32, i32
  }
  func.func @transform_2(%arg0: i32) -> (i32, i32) {
    %c0_i32 = arith.constant 0 : i32
    %c0_i32_0 = arith.constant 0 : i32
    %c0_i32_1 = arith.constant 0 : i32
    return %c0_i32, %c0_i32_0 : i32, i32
  }
  func.func @transform_3(%arg0: i32) -> (i32, i32) {
    %c0_i32 = arith.constant 0 : i32
    %c0_i32_0 = arith.constant 0 : i32
    %c0_i32_1 = arith.constant 0 : i32
    return %c0_i32, %c0_i32_0 : i32, i32
  }
  func.func @transform_4(%arg0: i32) -> (i32, i32) {
    %c0_i32 = arith.constant 0 : i32
    %c0_i32_0 = arith.constant 0 : i32
    %c0_i32_1 = arith.constant 0 : i32
    return %c0_i32, %c0_i32_0 : i32, i32
  }
  func.func @transform_5(%arg0: i32) -> (i32, i32) {
    %c0_i32 = arith.constant 0 : i32
    %c0_i32_0 = arith.constant 0 : i32
    %c0_i32_1 = arith.constant 0 : i32
    return %c0_i32, %c0_i32_0 : i32, i32
  }
  func.func @transform_6(%arg0: i32) -> (i32, i32) {
    %c0_i32 = arith.constant 0 : i32
    %c0_i32_0 = arith.constant 0 : i32
    return %arg0, %c0_i32 : i32, i32
  }
}

</mosaic_0001>

<sc_bundles>
// kernel: kernel.4.cloned.1.call-start
scs
__scs_entry_jumppad:
0x0: {  	(pc) =	sbr.rel $0x88, $3  }
0x1: {  	(tag) =	ssettag $0x0;
	lr =	simm.s32 $0x1  }
0x2: {  	[smem:$0x3F98] =	sst lr;
	_ =	strace $0xD0000000  }
0x3: {  	_ = 	snop  }
0x4: {  	_ = 	snop  }
0x5: {  	_ = 	snop  }
0x6: {  	_ = 	snop  }
0x7: {  	_ = 	snop  }
__scs_overlays_trampoline_lowered:
0x8: {  	[smem:$0x3FA7] =	sst s0  }
0x9: {  	[smem:$0x3FA8] =	sst s1  }
0xa: {  	[smem:$0x3FA9] =	sst s2  }
0xb: {  	[smem:$0x3FAA] =	sst s3  }
0xc: {  	[smem:$0x3FAB] =	sst s4  }
0xd: {  	[smem:$0x3FAC] =	sst s5  }
0xe: {  	[smem:$0x3FAD] =	sst s6  }
0xf: {  	[smem:$0x3FAE] =	sst s7  }
0x10: {  	[smem:$0x3FAF] =	sst s8  }
0x11: {  	[smem:$0x3FB0] =	sst s9;
	s0 =	simm.s32 @!p0 $0x0  }
0x12: {  	s1 =	sld [smem:$0x3F96];
	s0 =	simm.s32 @p0 $0x1  }
0x13: {  	[smem:$0x3FB1] =	sst s0;
	s0 =	simm.s32 @!p1 $0x0  }
0x14: {  	s2 =	sld [smem:$0x3F95];
	s0 =	simm.s32 @p1 $0x1  }
0x15: {  	[smem:$0x3FB2] =	sst s0;
	s0 =	simm.s32 @!p2 $0x0  }
0x16: {  	s3 =	sld [smem:$0x3FDB];
	s0 =	simm.s32 @p2 $0x1  }
0x17: {  	s4 =	simm.s32 $0x1BF5;
	[smem:$0x3FB4] =	sst s0  }
0x18: {  	s0 =	sld [smem:$0x3F97];
	_ =	swait.ge [sflag:s4], $0x0  }
0x19: {  	s7 =	sld [smem:$0x3F98]  }
0x1a: {  	s8 =	sadd.s32 $0xFFFFE003, lr  }
0x1b: {  	s9 =	sadd.s32 $0xFFFFFEF7, lr;
	s5 =	simm.s32 $0xFFFFFFFF;
	p2 =	slt.u32 s8, $0xFFFFF086  }
0x1c: {  	p1 =	slt.u32 s9, $0xF7A;
	s5 =	simm.s32 @!p2 $0x0  }
0x1d: {  	s5 =	simm.s32 @p1 $0x1;
	p0 =	seq.s32 s7, s2  }
0x1e: {  	s7 =	smul.u32 @!p0 $0xF7A, s2;
	p2 =	seq.s32 @!p0 s5, $0x0  }
0x1f: {  	s9 =	smul.u32 $0xF7A, s1;
	s8 =	simm.s32 @!p0 $0x1BF5;
	p2 =	por !p2, p0  }
0x20: {  	[sflag:s8] =	ssyncset.s32 @!p0 $0xFFFFF086;
	s6 =	sadd.s32 @!p0 s3, s7;
	s7 =	simm.s32 @!p0 $0x108  }
0x21: {  	s3 =	sadd.s32 s3, s9;
	s6 =	sadd.s32 @!p0 $0x88, s6;
	s7 =	simm.s32 @p2 $0x1082  }
0x22: {  	[simem:s7], [sflag:s8] =	dma.local @!p0 [hbm:s6], $0xF7A  }
0x23: {  	s9 =	sor.u32 $0xD0000000, s2;
	s6 =	simm.s32 $0x108;
	_ =	swait.ge @!p0 [sflag:s8], $0x0  }
0x24: {  	s3 =	sadd.s32 $0x88, s3;
	s6 =	simm.s32 @!p1 $0x1082;
	[sflag:s4] =	ssyncset.s32 $0xFFFFF086  }
0x25: {  	[simem:s6], [sflag:s4] =	dma.local [hbm:s3], $0xF7A  }
0x26: {  	[smem:$0x3F98] =	sst s1;
	(tag) =	ssettag s2;
	_ =	strace s9  }
0x27: {  	s1 =	sld [smem:$0x3FA8]  }
0x28: {  	s2 =	sld [smem:$0x3FA9]  }
0x29: {  	s4 =	sld [smem:$0x3FAB]  }
0x2a: {  	p0 =	seq.s32 s5, $0x0;
	s5 =	sld [smem:$0x3FAC]  }
0x2b: {  	s6 =	sld [smem:$0x3FAD]  }
0x2c: {  	s7 =	sld [smem:$0x3FAE]  }
0x2d: {  	s3 =	simm.s32 $0x108;
	s8 =	sld [smem:$0x3FAF]  }
0x2e: {  	s3 =	simm.s32 @!p0 $0x1082;
	s9 =	sld [smem:$0x3FB0]  }
0x2f: {  	lr =	sadd.s32 s0, s3;
	s0 =	sld [smem:$0x3FA7]  }
0x30: {  	s3 =	sld [smem:$0x3FAA]  }
0x31: {  	[smem:$0x3FB3] =	sst s10  }
0x32: {  	s10 =	sld [smem:$0x3FB1];
	_ =	sdelay $0x3  }
0x33: {  	p0 =	seq.s32 s10, $0x1;
	s10 =	sld [smem:$0x3FB3];
	_ =	sdelay $0x3  }
0x34: {  	[smem:$0x3FB3] =	sst s10  }
0x35: {  	s10 =	sld [smem:$0x3FB2];
	_ =	sdelay $0x3  }
0x36: {  	p1 =	seq.s32 s10, $0x1;
	s10 =	sld [smem:$0x3FB3];
	_ =	sdelay $0x3  }
0x37: {  	[smem:$0x3FB3] =	sst s10  }
0x38: {  	s10 =	sld [smem:$0x3FB4]  }
0x39: {  	_ = 	snop;
	(pc) =	sbr.ind lr, $3  }
0x3a: {  	_ = 	snop  }
0x3b: {  	_ = 	snop  }
0x3c: {  	p2 =	seq.s32 s10, $0x1;
	s10 =	sld [smem:$0x3FB3]  }
0x3d: {  	_ =	shalt  }
0x3e: {  	_ =	shalt  }
0x3f: {  	_ =	shalt  }
0x40: {  	_ =	shalt  }
0x41: {  	_ =	shalt  }
0x42: {  	_ =	shalt  }
0x43: {  	_ =	shalt  }
0x44: {  	_ =	shalt  }
0x45: {  	_ =	shalt  }
0x46: {  	_ =	shalt  }
0x47: {  	_ =	shalt  }
0x48: {  	_ =	shalt  }
0x49: {  	_ =	shalt  }
0x4a: {  	_ =	shalt  }
0x4b: {  	_ =	shalt  }
0x4c: {  	_ =	shalt  }
0x4d: {  	_ =	shalt  }
0x4e: {  	_ =	shalt  }
0x4f: {  	_ =	shalt  }
0x50: {  	_ =	shalt  }
0x51: {  	_ =	shalt  }
0x52: {  	_ =	shalt  }
0x53: {  	_ =	shalt  }
0x54: {  	_ =	shalt  }
0x55: {  	_ =	shalt  }
0x56: {  	_ =	shalt  }
0x57: {  	_ =	shalt  }
0x58: {  	_ =	shalt  }
0x59: {  	_ =	shalt  }
0x5a: {  	_ =	shalt  }
0x5b: {  	_ =	shalt  }
0x5c: {  	_ =	shalt  }
0x5d: {  	_ =	shalt  }
0x5e: {  	_ =	shalt  }
0x5f: {  	_ =	shalt  }
0x60: {  	_ =	shalt  }
0x61: {  	_ =	shalt  }
0x62: {  	_ =	shalt  }
0x63: {  	_ =	shalt  }
0x64: {  	_ =	shalt  }
0x65: {  	_ =	shalt  }
0x66: {  	_ =	shalt  }
0x67: {  	_ =	shalt  }
0x68: {  	_ =	shalt  }
0x69: {  	_ =	shalt  }
0x6a: {  	_ =	shalt  }
0x6b: {  	_ =	shalt  }
0x6c: {  	_ =	shalt  }
0x6d: {  	_ =	shalt  }
0x6e: {  	_ =	shalt  }
0x6f: {  	_ =	shalt  }
0x70: {  	_ =	shalt  }
0x71: {  	_ =	shalt  }
0x72: {  	_ =	shalt  }
0x73: {  	_ =	shalt  }
0x74: {  	_ =	shalt  }
0x75: {  	_ =	shalt  }
0x76: {  	_ =	shalt  }
0x77: {  	_ =	shalt  }
0x78: {  	_ =	shalt  }
0x79: {  	_ =	shalt  }
0x7a: {  	_ =	shalt  }
0x7b: {  	_ =	shalt  }
0x7c: {  	_ =	shalt  }
0x7d: {  	_ =	shalt  }
0x7e: {  	_ =	shalt  }
0x7f: {  	_ =	shalt  }
0x80: {  	_ =	shalt  }
0x81: {  	_ =	shalt  }
0x82: {  	_ =	shalt  }
0x83: {  	_ =	shalt  }
0x84: {  	_ =	shalt  }
0x85: {  	_ =	shalt  }
0x86: {  	_ =	shalt  }
0x87: {  	_ =	shalt  }
.Lfunc_end0:
.L_simem_size_0:
called_computation_lowered:
.L_overlay_start_0:
0x88: {  	s2 =	sld [smem:$0x3FD9]  }
0x89: {  	s3 =	sld [smem:$0x3FFE];
	_ =	sdelay $0x1  }
0x8a: {  	s1 =	srdreg.scid  }
0x8b: {  	s0 =	sand.u32 $0x1, s1  }
0x8c: {  	s17 =	sshll.u32 s0, $0xA;
	s2 =	sadd.s32 s3, s2  }
0x8d: {  	s2 =	sadd.s32 s2, s17  }
0x8e: {  	[smem:$0x3FBF] =	sst s2  }
0x8f: {  	_ = 	snop  }
0x90: {  	s2 =	sld [smem:$0x3FC8]  }
0x91: {  	s18 =	sld [smem:$0x3FC7]  }
0x92: {  	s4 =	sld [smem:$0x3FD0];
	(tm) =	ssettm $0x1  }
0x93: {  	s5 =	sld [smem:$0x3FFB];
	_ =	sdelay $0x3  }
0x94: {  	_ =	strace s5  }
0x95: {  	s5 =	sld [smem:$0x3FFC];
	_ =	sdelay $0x3  }
0x96: {  	_ =	strace s5  }
0x97: {  	s5 =	sld [smem:$0x3FFD];
	_ =	sdelay $0x3  }
0x98: {  	_ =	strace s5  }
0x99: {  	_ =	strace $0x8FFFFFFF  }
0x9a: {  	s19 =	sld [smem:$0x3FDB];
	_ =	sdelay $0x1  }
0x9b: {  	s6 =	simm.s32 $_scs_section_size  }
0x9c: {  	s7 =	simm.s32 $_size__tile_overlayer_lowered;
	s8 =	simm.s32 $_tile_overlayer_lowered  }
0x9d: {  	s22 =	simm.s32 $0x1BFF;
	s21 =	sshll.u32 s8, $0x1;
	s5 =	sadd.s32 s6, s19  }
0x9e: {  	s9 =	simm.s32 $0x0;
	s20 =	sshll.u32 s7, $0x1;
	s7 =	sadd.s32 s21, s5  }
0x9f: {  	[timem:s9], [sflag:s22] =	dma.local [hbm:s7], s20  }
0xa0: {  	_ =	swait.ge [sflag:s22], s20  }
0xa1: {  	s6 =	ssub.s32 $0x0, s20;
	[sflag:s22] =	ssyncset.done $0x0  }
0xa2: {  	[sflag:s22] =	ssyncadd.s32 s6;
	_ =	sdelay $0x1  }
0xa3: {  	s23 =	simm.s32 $0x1B8B  }
0xa4: {  	_ =	swait.ge [sflag:s23], $0x1  }
0xa5: {  	[sflag:s23] =	ssyncset.done $0x0  }
0xa6: {  	s25 =	simm.s32 $0x1B8E;
	s24 =	sld [smem:$0x3FFE];
	[sflag:s23] =	ssyncadd.s32 $0xFFFFFFFF  }
0xa7: {  	s26 =	simm.s32 $execute0_lowered;
	[smem:$0x3FD2] =	sst s25  }
0xa8: {  	s7 =	sshll.u32 s26, $0x1;
	_ =	strace $0x80000046;
	[dreg:$0x1] =	wrdreg $0xFFFFFFFF  }
0xa9: {  	s28 =	simm.s32 $_size_execute0_lowered;
	s5 =	sadd.s32 s5, s7;
	[dreg:$0x0] =	wrdreg $0x0  }
0xaa: {  	s7 =	sshll.u32 s28, $0x1;
	[dreg:$0x2] =	wrdreg s5  }
0xab: {  	[dreg:$0x3] =	wrdreg s7  }
0xac: {  	[dreg:$0x4] =	wrdreg $0xC0  }
0xad: {  	_ =	task [dreg:s9], $0x5FFFF  }
0xae: {  	[dreg:$0x1] =	wrdreg $0xFFFFFFFF  }
0xaf: {  	[dreg:$0x0] =	wrdreg $0x60  }
0xb0: {  	[dreg:$0x2] =	wrdreg s24  }
0xb1: {  	[dreg:$0x3] =	wrdreg s18  }
0xb2: {  	[dreg:$0x4] =	wrdreg s2  }
0xb3: {  	[dreg:$0x5] =	wrdreg s4  }
0xb4: {  	[dreg:$0x6] =	wrdreg $0x9  }
0xb5: {  	_ =	task.clear_ibuf [dreg:s9], $0x7FFFF;
	_ =	strace $0x90000046  }
0xb6: {  	s29 =	simm.s32 $0x9;
	_ =	strace $0x80000048  }
0xb7: {  	_ =	swait.ge [sflag:s29], $0x1  }
0xb8: {  	[sflag:s29] =	ssyncadd.s32 $0xFFFFFFFF  }
0xb9: {  	_ =	strace $0x90000048  }
0xba: {  	_ =	sfence  }
0xbb: {  	s30 =	sld [smem:$0x0];
	_ =	sdelay $0x2  }
0xbc: {  	s31 =	sshll.u32 s1, $0xD;
	s1 =	sshrl.u32 s1, $0x2  }
0xbd: {  	s3 =	sand.u32 $0x4000, s31;
	s1 =	sadd.s32 s1, s30  }
0xbe: {  	s0 =	sor.u32 s3, s0;
	s1 =	sshll.u32 s1, $0x11  }
0xbf: {  	s0 =	sor.u32 s1, s0  }
0xc0: {  	s0 =	sadd.s32 $0x8F2B, s0  }
0xc1: {  	[sflag:s0] =	ssyncadd.remote.s32 $0x1  }
0xc2: {  	_ =	sfence.sel $0xFFFF  }
0xc3: {  	[dreg:$0x0] =	wrdreg $0xFFFFFFFF;
	(pc) =	sbr.abs _section_cstart, $3  }
0xc4: {  	[dreg:$0x1] =	wrdreg $0xFFFFFFFF  }
0xc5: {  	_ =	task.clear_ibuf [dreg:s9], $0x2FFFF;
	_ =	strace $0x9FFFFFFF  }
0xc6: {  	(tm) =	ssettm $0x7FFFFFFF  }
0xc7: {  	_ =	shalt  }
tec
execute0_lowered:
.L_overlay_start_1:
0x0: {  	(tag) =	ssettag $0x1  }
0x1: {  	s1 =	rddreg [dreg:$0x0]  }
0x2: {  	s0 =	rddreg [dreg:$0x1]  }
0x3: {  	s2 =	rddreg [dreg:$0x2]  }
0x4: {  	s24 =	rddreg [dreg:$0x3];
	s3 =	srdreg.scid  }
0x5: {  	s5 =	stileid.u32;
	s17 =	simm.s32 $0x3;
	s18 =	simm.s32 $0x80  }
0x6: {  	s31 =	simm.s32 $0x1;
	[dreg:$0x5] =	wrdreg s2;
	s4 =	sand.u32 $0x1, s3  }
0x7: {  	s3 =	simm.s32 $0x0;
	s5 =	sshll.u32 s5, $0x5;
	s28 =	sadd.s32 $0x640000, s1  }
0x8: {  	s7 =	sadd.s32 $0x400, s1;
	s9 =	sadd.s32 $0x600, s1;
	s10 =	sadd.s32 $0x700, s1  }
0x9: {  	s13 =	sadd.s32 $0xA00, s1;
	s14 =	sadd.s32 $0xB00, s1;
	s15 =	sadd.s32 $0xC00, s1  }
0xa: {  	s6 =	sshll.u32 s4, $0x4;
	[smem:$0x7FF] =	sst s3;
	s4 =	ssub.s32 $0x2, s4  }
0xb: {  	s8 =	sor.u32 s6, s5;
	_ =	strace $0x80000047;
	s25 =	sshrl.u32 s4, $0x1  }
0xc: {  	s5 =	sadd.s32 $0x200, s1;
	s6 =	sadd.s32 $0x300, s1;
	s29 =	smul.u32 $0x6400, s8  }
0xd: {  	s0 =	sadd.s32 s0, s8;
	s26 =	sadd.s32 s24, s8;
	s11 =	smul.u32 $0xC80, s8  }
0xe: {  	s16 =	ssub.s32 s4, s25;
	[dreg:$0x6] =	wrdreg s0;
	s0 =	sshrl.u32 s29, $0x3  }
0xf: {  	[dreg:$0x7] =	wrdreg s26;
	s12 =	sadd.s32 s28, s11;
	s0 =	sadd.s32 s28, s0  }
0x10: {  	s4 =	sadd.s32 $0x100, s1;
	[dreg:$0x8] =	wrdreg s12;
	s2 =	sadd.s32 $0x3200, s0  }
0x11: {  	v2 =	vlaneseq.u32;
	s8 =	sadd.s32 $0x500, s1;
	s30 =	sadd.s32 $0x6400, s0;
	[dreg:$0x9] =	wrdreg s2  }
0x12: {  	vm0 =	vmmov $0xffff;
	vm1 =	vmmov $0xff;
	v1 =	vshrl.u32 v2, $0x3;
	s16 =	smax.u32 s16, $0x1;
	s0 =	sadd.s32 $0x9600, s0;
	[dreg:$0xa] =	wrdreg s30  }
0x13: {  	v0 =	vand.u32 $0x7, v2;
	v2 =	vor.u32 $0x8, v2;
	v1 =	vmul.u32 $0x8, v1;
	s11 =	sadd.s32 $0x800, s1;
	s12 =	sadd.s32 $0x900, s1;
	[dreg:$0xb] =	wrdreg s0  }
.LBB2_1:
0x14: {  	s0 =	rddreg [dreg:$0x6]  }
0x15: {  	[tilespmem:s3], [sflag:$0x3] =	stream.linear.gather [hbm4b:s0+s3], $0x80, $0x38;
	[tilespmem:$0x19100] =	vst v63  }
0x16: {  	_ =	swait.ge [sflag:s17], $0x80  }
0x17: {  	s2 =	simm.s32 $0x19080;
	[sflag:s17] =	ssyncset.done $0x0  }
0x18: {  	s19 =	simm.s32 $0x2;
	s24 =	rddreg [dreg:$0x5];
	[sflag:s17] =	ssyncadd.s32 $0xFFFFFF80  }
0x19: {  	[tilespmem:s2], [sflag:$0x2] =	stream.indirect.gather [hbm4b:s24+s18], $0x1, s3, s18, $0xb8;
	[tilespmem:$0x19100] =	vst v63  }
0x1a: {  	_ =	swait.ge [sflag:s19], $0x80  }
0x1b: {  	[sflag:s19] =	ssyncset.done $0x0  }
0x1c: {  	s25 =	rddreg [dreg:$0x7];
	[sflag:s19] =	ssyncadd.s32 $0xFFFFFF80  }
0x1d: {  	[hbm4b:s25+s3] =	stream.linear.scatter [tilespmem:s2], [sflag:$0x3], $0x80, $0x38;
	[tilespmem:$0x19100] =	vst v63  }
0x1e: {  	_ =	swait.ge [sflag:s17], $0x80  }
0x1f: {  	[sflag:s17] =	ssyncset.done $0x0  }
0x20: {  	[sflag:s17] =	ssyncadd.s32 $0xFFFFFF80  }
0x21: {  	v3 =	vld [tilespmem:$0x0];
	_ =	sdelay $0x4  }
0x22: {  	v4 =	vshrl.u32 v3, $0x3  }
0x23: {  	v4 =	vmul.u32 $0xC8, v4  }
0x24: {  	v3 =	vand.u32 $0x7, v3  }
0x25: {  	v3 =	vor.u32 v3, v4  }
0x26: {  	v4 =	vperm.xlane v3, v0;
	_ =	sdelay $0x1  }
0x27: {  	v4 =	vadd.s32 v1, v4;
	_ =	sdelay $0x4  }
0x28: {  	[tilespmem:s18], [sflag:$0x1] =	stream.indirect_vreg.gather [hbm4b:s1+s3], $0x80, v4, vm0, $0xb8;
	[tilespmem:$0x19100] =	vst v63  }
0x29: {  	s26 =	simm.s32 $0x880  }
0x2a: {  	[tilespmem:s26], [sflag:$0x1] =	stream.indirect_vreg.gather [hbm4b:s4+s3], $0x80, v4, vm0, $0xb8;
	[tilespmem:$0x19100] =	vst v63  }
0x2b: {  	s28 =	simm.s32 $0x1080  }
0x2c: {  	[tilespmem:s28], [sflag:$0x1] =	stream.indirect_vreg.gather [hbm4b:s5+s3], $0x80, v4, vm0, $0xb8;
	[tilespmem:$0x19100] =	vst v63  }
0x2d: {  	s29 =	simm.s32 $0x1880  }
0x2e: {  	[tilespmem:s29], [sflag:$0x1] =	stream.indirect_vreg.gather [hbm4b:s6+s3], $0x80, v4, vm0, $0xb8;
	[tilespmem:$0x19100] =	vst v63  }
0x2f: {  	s30 =	simm.s32 $0x2080  }
0x30: {  	[tilespmem:s30], [sflag:$0x1] =	stream.indirect_vreg.gather [hbm4b:s7+s3], $0x80, v4, vm0, $0xb8;
	[tilespmem:$0x19100] =	vst v63  }
0x31: {  	s2 =	simm.s32 $0x2880  }
0x32: {  	[tilespmem:s2], [sflag:$0x1] =	stream.indirect_vreg.gather [hbm4b:s8+s3], $0x80, v4, vm0, $0xb8;
	[tilespmem:$0x19100] =	vst v63  }
0x33: {  	s19 =	simm.s32 $0x3080  }
0x34: {  	[tilespmem:s19], [sflag:$0x1] =	stream.indirect_vreg.gather [hbm4b:s9+s3], $0x80, v4, vm0, $0xb8;
	[tilespmem:$0x19100] =	vst v63  }
0x35: {  	s20 =	simm.s32 $0x3880  }
0x36: {  	[tilespmem:s20], [sflag:$0x1] =	stream.indirect_vreg.gather [hbm4b:s10+s3], $0x80, v4, vm0, $0xb8;
	[tilespmem:$0x19100] =	vst v63  }
0x37: {  	s21 =	simm.s32 $0x4080  }
0x38: {  	[tilespmem:s21], [sflag:$0x1] =	stream.indirect_vreg.gather [hbm4b:s11+s3], $0x80, v4, vm0, $0xb8;
	[tilespmem:$0x19100] =	vst v63  }
0x39: {  	s22 =	simm.s32 $0x4880  }
0x3a: {  	[tilespmem:s22], [sflag:$0x1] =	stream.indirect_vreg.gather [hbm4b:s12+s3], $0x80, v4, vm0, $0xb8;
	[tilespmem:$0x19100] =	vst v63  }
0x3b: {  	s23 =	simm.s32 $0x5080;
	v3 =	vperm.xlane v3, v2  }
0x3c: {  	[tilespmem:s23], [sflag:$0x1] =	stream.indirect_vreg.gather [hbm4b:s13+s3], $0x80, v4, vm0, $0xb8;
	[tilespmem:$0x19100] =	vst v63  }
0x3d: {  	s24 =	simm.s32 $0x5880;
	v3 =	vadd.s32 v1, v3  }
0x3e: {  	[tilespmem:s24], [sflag:$0x1] =	stream.indirect_vreg.gather [hbm4b:s14+s3], $0x80, v4, vm0, $0xb8;
	[tilespmem:$0x19100] =	vst v63  }
0x3f: {  	s25 =	simm.s32 $0x6080  }
0x40: {  	[tilespmem:s25], [sflag:$0x1] =	stream.indirect_vreg.gather [hbm4b:s15+s3], $0x80, v4, vm1, $0xb8;
	[tilespmem:$0x19100] =	vst v63  }
0x41: {  	s26 =	simm.s32 $0x6480  }
0x42: {  	[tilespmem:s26], [sflag:$0x1] =	stream.indirect_vreg.gather [hbm4b:s1+s3], $0x80, v3, vm0, $0xb8;
	[tilespmem:$0x19100] =	vst v63  }
0x43: {  	s28 =	simm.s32 $0x6C80  }
0x44: {  	[tilespmem:s28], [sflag:$0x1] =	stream.indirect_vreg.gather [hbm4b:s4+s3], $0x80, v3, vm0, $0xb8;
	[tilespmem:$0x19100] =	vst v63  }
0x45: {  	s29 =	simm.s32 $0x7480  }
0x46: {  	[tilespmem:s29], [sflag:$0x1] =	stream.indirect_vreg.gather [hbm4b:s5+s3], $0x80, v3, vm0, $0xb8;
	[tilespmem:$0x19100] =	vst v63  }
0x47: {  	s30 =	simm.s32 $0x7C80  }
0x48: {  	[tilespmem:s30], [sflag:$0x1] =	stream.indirect_vreg.gather [hbm4b:s6+s3], $0x80, v3, vm0, $0xb8;
	[tilespmem:$0x19100] =	vst v63  }
0x49: {  	s2 =	simm.s32 $0x8480  }
0x4a: {  	[tilespmem:s2], [sflag:$0x1] =	stream.indirect_vreg.gather [hbm4b:s7+s3], $0x80, v3, vm0, $0xb8;
	[tilespmem:$0x19100] =	vst v63  }
0x4b: {  	s19 =	simm.s32 $0x8C80  }
0x4c: {  	[tilespmem:s19], [sflag:$0x1] =	stream.indirect_vreg.gather [hbm4b:s8+s3], $0x80, v3, vm0, $0xb8;
	[tilespmem:$0x19100] =	vst v63  }
0x4d: {  	s20 =	simm.s32 $0x9480  }
0x4e: {  	[tilespmem:s20], [sflag:$0x1] =	stream.indirect_vreg.gather [hbm4b:s9+s3], $0x80, v3, vm0, $0xb8;
	[tilespmem:$0x19100] =	vst v63  }
0x4f: {  	s21 =	simm.s32 $0x9C80  }
0x50: {  	[tilespmem:s21], [sflag:$0x1] =	stream.indirect_vreg.gather [hbm4b:s10+s3], $0x80, v3, vm0, $0xb8;
	[tilespmem:$0x19100] =	vst v63  }
0x51: {  	s2 =	simm.s32 $0xA480  }
0x52: {  	[tilespmem:s2], [sflag:$0x1] =	stream.indirect_vreg.gather [hbm4b:s11+s3], $0x80, v3, vm0, $0xb8;
	[tilespmem:$0x19100] =	vst v63  }
0x53: {  	s19 =	simm.s32 $0xAC80  }
0x54: {  	[tilespmem:s19], [sflag:$0x1] =	stream.indirect_vreg.gather [hbm4b:s12+s3], $0x80, v3, vm0, $0xb8;
	[tilespmem:$0x19100] =	vst v63  }
0x55: {  	s20 =	simm.s32 $0xB480  }
0x56: {  	[tilespmem:s20], [sflag:$0x1] =	stream.indirect_vreg.gather [hbm4b:s13+s3], $0x80, v3, vm0, $0xb8;
	[tilespmem:$0x19100] =	vst v63  }
0x57: {  	s21 =	simm.s32 $0xBC80  }
0x58: {  	[tilespmem:s21], [sflag:$0x1] =	stream.indirect_vreg.gather [hbm4b:s14+s3], $0x80, v3, vm0, $0xb8;
	[tilespmem:$0x19100] =	vst v63  }
0x59: {  	s2 =	simm.s32 $0xC480  }
0x5a: {  	[tilespmem:s2], [sflag:$0x1] =	stream.indirect_vreg.gather [hbm4b:s15+s3], $0x80, v3, vm1, $0xb8;
	[tilespmem:$0x19100] =	vst v63  }
0x5b: {  	v3 =	vld [tilespmem:$0x10];
	_ =	sdelay $0x4  }
0x5c: {  	v57 =	vshrl.u32 v3, $0x3  }
0x5d: {  	v4 =	vmul.u32 $0xC8, v57  }
0x5e: {  	v3 =	vand.u32 $0x7, v3  }
0x5f: {  	v3 =	vor.u32 v3, v4  }
0x60: {  	v4 =	vperm.xlane v3, v0;
	_ =	sdelay $0x1  }
0x61: {  	v4 =	vadd.s32 v1, v4;
	_ =	sdelay $0x3  }
0x62: {  	s19 =	simm.s32 $0xC880  }
0x63: {  	[tilespmem:s19], [sflag:$0x1] =	stream.indirect_vreg.gather [hbm4b:s1+s3], $0x80, v4, vm0, $0xb8;
	[tilespmem:$0x19100] =	vst v63  }
0x64: {  	s20 =	simm.s32 $0xD080  }
0x65: {  	[tilespmem:s20], [sflag:$0x1] =	stream.indirect_vreg.gather [hbm4b:s4+s3], $0x80, v4, vm0, $0xb8;
	[tilespmem:$0x19100] =	vst v63  }
0x66: {  	s21 =	simm.s32 $0xD880  }
0x67: {  	[tilespmem:s21], [sflag:$0x1] =	stream.indirect_vreg.gather [hbm4b:s5+s3], $0x80, v4, vm0, $0xb8;
	[tilespmem:$0x19100] =	vst v63  }
0x68: {  	s19 =	simm.s32 $0xE080  }
0x69: {  	[tilespmem:s19], [sflag:$0x1] =	stream.indirect_vreg.gather [hbm4b:s6+s3], $0x80, v4, vm0, $0xb8;
	[tilespmem:$0x19100] =	vst v63  }
0x6a: {  	s20 =	simm.s32 $0xE880  }
0x6b: {  	[tilespmem:s20], [sflag:$0x1] =	stream.indirect_vreg.gather [hbm4b:s7+s3], $0x80, v4, vm0, $0xb8;
	[tilespmem:$0x19100] =	vst v63  }
0x6c: {  	s21 =	simm.s32 $0xF080  }
0x6d: {  	[tilespmem:s21], [sflag:$0x1] =	stream.indirect_vreg.gather [hbm4b:s8+s3], $0x80, v4, vm0, $0xb8;
	[tilespmem:$0x19100] =	vst v63  }
0x6e: {  	s19 =	simm.s32 $0xF880  }
0x6f: {  	[tilespmem:s19], [sflag:$0x1] =	stream.indirect_vreg.gather [hbm4b:s9+s3], $0x80, v4, vm0, $0xb8;
	[tilespmem:$0x19100] =	vst v63  }
0x70: {  	s20 =	simm.s32 $0x10080  }
0x71: {  	[tilespmem:s20], [sflag:$0x1] =	stream.indirect_vreg.gather [hbm4b:s10+s3], $0x80, v4, vm0, $0xb8;
	[tilespmem:$0x19100] =	vst v63  }
0x72: {  	s21 =	simm.s32 $0x10880  }
0x73: {  	[tilespmem:s21], [sflag:$0x1] =	stream.indirect_vreg.gather [hbm4b:s11+s3], $0x80, v4, vm0, $0xb8;
	[tilespmem:$0x19100] =	vst v63  }
0x74: {  	s19 =	simm.s32 $0x11080  }
0x75: {  	[tilespmem:s19], [sflag:$0x1] =	stream.indirect_vreg.gather [hbm4b:s12+s3], $0x80, v4, vm0, $0xb8;
	[tilespmem:$0x19100] =	vst v63  }
0x76: {  	v3 =	vperm.xlane v3, v2;
	s20 =	simm.s32 $0x11880  }
0x77: {  	[tilespmem:s20], [sflag:$0x1] =	stream.indirect_vreg.gather [hbm4b:s13+s3], $0x80, v4, vm0, $0xb8;
	[tilespmem:$0x19100] =	vst v63  }
0x78: {  	v3 =	vadd.s32 v1, v3;
	s21 =	simm.s32 $0x12080  }
0x79: {  	[tilespmem:s21], [sflag:$0x1] =	stream.indirect_vreg.gather [hbm4b:s14+s3], $0x80, v4, vm0, $0xb8;
	[tilespmem:$0x19100] =	vst v63  }
0x7a: {  	s21 =	simm.s32 $0x12880  }
0x7b: {  	[tilespmem:s21], [sflag:$0x1] =	stream.indirect_vreg.gather [hbm4b:s15+s3], $0x80, v4, vm1, $0xb8;
	[tilespmem:$0x19100] =	vst v63  }
0x7c: {  	s21 =	simm.s32 $0x12C80  }
0x7d: {  	[tilespmem:s21], [sflag:$0x1] =	stream.indirect_vreg.gather [hbm4b:s1+s3], $0x80, v3, vm0, $0xb8;
	[tilespmem:$0x19100] =	vst v63  }
0x7e: {  	s21 =	simm.s32 $0x13480  }
0x7f: {  	[tilespmem:s21], [sflag:$0x1] =	stream.indirect_vreg.gather [hbm4b:s4+s3], $0x80, v3, vm0, $0xb8;
	[tilespmem:$0x19100] =	vst v63  }
0x80: {  	s21 =	simm.s32 $0x13C80  }
0x81: {  	[tilespmem:s21], [sflag:$0x1] =	stream.indirect_vreg.gather [hbm4b:s5+s3], $0x80, v3, vm0, $0xb8;
	[tilespmem:$0x19100] =	vst v63  }
0x82: {  	s21 =	simm.s32 $0x14480  }
0x83: {  	[tilespmem:s21], [sflag:$0x1] =	stream.indirect_vreg.gather [hbm4b:s6+s3], $0x80, v3, vm0, $0xb8;
	[tilespmem:$0x19100] =	vst v63  }
0x84: {  	s21 =	simm.s32 $0x14C80  }
0x85: {  	[tilespmem:s21], [sflag:$0x1] =	stream.indirect_vreg.gather [hbm4b:s7+s3], $0x80, v3, vm0, $0xb8;
	[tilespmem:$0x19100] =	vst v63  }
0x86: {  	s21 =	simm.s32 $0x15480  }
0x87: {  	[tilespmem:s21], [sflag:$0x1] =	stream.indirect_vreg.gather [hbm4b:s8+s3], $0x80, v3, vm0, $0xb8;
	[tilespmem:$0x19100] =	vst v63  }
0x88: {  	s21 =	simm.s32 $0x15C80  }
0x89: {  	[tilespmem:s21], [sflag:$0x1] =	stream.indirect_vreg.gather [hbm4b:s9+s3], $0x80, v3, vm0, $0xb8;
	[tilespmem:$0x19100] =	vst v63  }
0x8a: {  	s21 =	simm.s32 $0x16480  }
0x8b: {  	[tilespmem:s21], [sflag:$0x1] =	stream.indirect_vreg.gather [hbm4b:s10+s3], $0x80, v3, vm0, $0xb8;
	[tilespmem:$0x19100] =	vst v63  }
0x8c: {  	s21 =	simm.s32 $0x16C80  }
0x8d: {  	[tilespmem:s21], [sflag:$0x1] =	stream.indirect_vreg.gather [hbm4b:s11+s3], $0x80, v3, vm0, $0xb8;
	[tilespmem:$0x19100] =	vst v63  }
0x8e: {  	s21 =	simm.s32 $0x17480  }
0x8f: {  	[tilespmem:s21], [sflag:$0x1] =	stream.indirect_vreg.gather [hbm4b:s12+s3], $0x80, v3, vm0, $0xb8;
	[tilespmem:$0x19100] =	vst v63  }
0x90: {  	s21 =	simm.s32 $0x17C80  }
0x91: {  	[tilespmem:s21], [sflag:$0x1] =	stream.indirect_vreg.gather [hbm4b:s13+s3], $0x80, v3, vm0, $0xb8;
	[tilespmem:$0x19100] =	vst v63  }
0x92: {  	s21 =	simm.s32 $0x18480  }
0x93: {  	[tilespmem:s21], [sflag:$0x1] =	stream.indirect_vreg.gather [hbm4b:s14+s3], $0x80, v3, vm0, $0xb8;
	[tilespmem:$0x19100] =	vst v63  }
0x94: {  	s21 =	simm.s32 $0x18C80  }
0x95: {  	[tilespmem:s21], [sflag:$0x1] =	stream.indirect_vreg.gather [hbm4b:s15+s3], $0x80, v3, vm1, $0xb8;
	[tilespmem:$0x19100] =	vst v63  }
0x96: {  	_ =	swait.ge [sflag:s31], $0x19000  }
0x97: {  	[sflag:s31] =	ssyncset.done $0x0  }
0x98: {  	s0 =	rddreg [dreg:$0x8];
	[sflag:s31] =	ssyncadd.s32 $0xFFFE7000  }
0x99: {  	[hbm4b:s0+s3] =	stream.linear.scatter [tilespmem:s18], [sflag:$0x3], $0x19000, $0x38;
	[tilespmem:$0x19100] =	vst v63  }
0x9a: {  	_ =	swait.ge [sflag:s17], $0x19000  }
0x9b: {  	[sflag:s17] =	ssyncset.done $0x0  }
0x9c: {  	[sflag:s17] =	ssyncadd.s32 $0xFFFE7000  }
0x9d: {  	v3 =	vld [tilespmem:$0x20];
	_ =	sdelay $0x4  }
0x9e: {  	v58 =	vshrl.u32 v3, $0x3  }
0x9f: {  	v4 =	vmul.u32 $0xC8, v58  }
0xa0: {  	v3 =	vand.u32 $0x7, v3  }
0xa1: {  	v3 =	vor.u32 v3, v4  }
0xa2: {  	v4 =	vperm.xlane v3, v0;
	_ =	sdelay $0x1  }
0xa3: {  	v4 =	vadd.s32 v1, v4;
	_ =	sdelay $0x4  }
0xa4: {  	[tilespmem:s18], [sflag:$0x1] =	stream.indirect_vreg.gather [hbm4b:s1+s3], $0x80, v4, vm0, $0xb8;
	[tilespmem:$0x19100] =	vst v63  }
0xa5: {  	s0 =	simm.s32 $0x880  }
0xa6: {  	[tilespmem:s0], [sflag:$0x1] =	stream.indirect_vreg.gather [hbm4b:s4+s3], $0x80, v4, vm0, $0xb8;
	[tilespmem:$0x19100] =	vst v63  }
0xa7: {  	s0 =	simm.s32 $0x1080  }
0xa8: {  	[tilespmem:s0], [sflag:$0x1] =	stream.indirect_vreg.gather [hbm4b:s5+s3], $0x80, v4, vm0, $0xb8;
	[tilespmem:$0x19100] =	vst v63  }
0xa9: {  	s0 =	simm.s32 $0x1880  }
0xaa: {  	[tilespmem:s0], [sflag:$0x1] =	stream.indirect_vreg.gather [hbm4b:s6+s3], $0x80, v4, vm0, $0xb8;
	[tilespmem:$0x19100] =	vst v63  }
0xab: {  	s0 =	simm.s32 $0x2080  }
0xac: {  	[tilespmem:s0], [sflag:$0x1] =	stream.indirect_vreg.gather [hbm4b:s7+s3], $0x80, v4, vm0, $0xb8;
	[tilespmem:$0x19100] =	vst v63  }
0xad: {  	s0 =	simm.s32 $0x2880  }
0xae: {  	[tilespmem:s0], [sflag:$0x1] =	stream.indirect_vreg.gather [hbm4b:s8+s3], $0x80, v4, vm0, $0xb8;
	[tilespmem:$0x19100] =	vst v63  }
0xaf: {  	s0 =	simm.s32 $0x3080  }
0xb0: {  	[tilespmem:s0], [sflag:$0x1] =	stream.indirect_vreg.gather [hbm4b:s9+s3], $0x80, v4, vm0, $0xb8;
	[tilespmem:$0x19100] =	vst v63  }
0xb1: {  	s0 =	simm.s32 $0x3880  }
0xb2: {  	[tilespmem:s0], [sflag:$0x1] =	stream.indirect_vreg.gather [hbm4b:s10+s3], $0x80, v4, vm0, $0xb8;
	[tilespmem:$0x19100] =	vst v63  }
0xb3: {  	s0 =	simm.s32 $0x4080  }
0xb4: {  	[tilespmem:s0], [sflag:$0x1] =	stream.indirect_vreg.gather [hbm4b:s11+s3], $0x80, v4, vm0, $0xb8;
	[tilespmem:$0x19100] =	vst v63  }
0xb5: {  	s22 =	simm.s32 $0x4880  }
0xb6: {  	[tilespmem:s22], [sflag:$0x1] =	stream.indirect_vreg.gather [hbm4b:s12+s3], $0x80, v4, vm0, $0xb8;
	[tilespmem:$0x19100] =	vst v63  }
0xb7: {  	s23 =	simm.s32 $0x5080;
	v3 =	vperm.xlane v3, v2  }
0xb8: {  	[tilespmem:s23], [sflag:$0x1] =	stream.indirect_vreg.gather [hbm4b:s13+s3], $0x80, v4, vm0, $0xb8;
	[tilespmem:$0x19100] =	vst v63  }
0xb9: {  	v3 =	vadd.s32 v1, v3;
	s22 =	simm.s32 $0x5880  }
0xba: {  	[tilespmem:s22], [sflag:$0x1] =	stream.indirect_vreg.gather [hbm4b:s14+s3], $0x80, v4, vm0, $0xb8;
	[tilespmem:$0x19100] =	vst v63  }
0xbb: {  	s23 =	simm.s32 $0x6080  }
0xbc: {  	[tilespmem:s23], [sflag:$0x1] =	stream.indirect_vreg.gather [hbm4b:s15+s3], $0x80, v4, vm1, $0xb8;
	[tilespmem:$0x19100] =	vst v63  }
0xbd: {  	s24 =	simm.s32 $0x6480  }
0xbe: {  	[tilespmem:s24], [sflag:$0x1] =	stream.indirect_vreg.gather [hbm4b:s1+s3], $0x80, v3, vm0, $0xb8;
	[tilespmem:$0x19100] =	vst v63  }
0xbf: {  	s25 =	simm.s32 $0x6C80  }
0xc0: {  	[tilespmem:s25], [sflag:$0x1] =	stream.indirect_vreg.gather [hbm4b:s4+s3], $0x80, v3, vm0, $0xb8;
	[tilespmem:$0x19100] =	vst v63  }
0xc1: {  	s26 =	simm.s32 $0x7480  }
0xc2: {  	[tilespmem:s26], [sflag:$0x1] =	stream.indirect_vreg.gather [hbm4b:s5+s3], $0x80, v3, vm0, $0xb8;
	[tilespmem:$0x19100] =	vst v63  }
0xc3: {  	s28 =	simm.s32 $0x7C80  }
0xc4: {  	[tilespmem:s28], [sflag:$0x1] =	stream.indirect_vreg.gather [hbm4b:s6+s3], $0x80, v3, vm0, $0xb8;
	[tilespmem:$0x19100] =	vst v63  }
0xc5: {  	s29 =	simm.s32 $0x8480  }
0xc6: {  	[tilespmem:s29], [sflag:$0x1] =	stream.indirect_vreg.gather [hbm4b:s7+s3], $0x80, v3, vm0, $0xb8;
	[tilespmem:$0x19100] =	vst v63  }
0xc7: {  	s30 =	simm.s32 $0x8C80  }
0xc8: {  	[tilespmem:s30], [sflag:$0x1] =	stream.indirect_vreg.gather [hbm4b:s8+s3], $0x80, v3, vm0, $0xb8;
	[tilespmem:$0x19100] =	vst v63  }
0xc9: {  	s29 =	simm.s32 $0x9480  }
0xca: {  	[tilespmem:s29], [sflag:$0x1] =	stream.indirect_vreg.gather [hbm4b:s9+s3], $0x80, v3, vm0, $0xb8;
	[tilespmem:$0x19100] =	vst v63  }
0xcb: {  	s30 =	simm.s32 $0x9C80  }
0xcc: {  	[tilespmem:s30], [sflag:$0x1] =	stream.indirect_vreg.gather [hbm4b:s10+s3], $0x80, v3, vm0, $0xb8;
	[tilespmem:$0x19100] =	vst v63  }
0xcd: {  	s0 =	simm.s32 $0xA480  }
0xce: {  	[tilespmem:s0], [sflag:$0x1] =	stream.indirect_vreg.gather [hbm4b:s11+s3], $0x80, v3, vm0, $0xb8;
	[tilespmem:$0x19100] =	vst v63  }
0xcf: {  	s0 =	simm.s32 $0xAC80  }
0xd0: {  	[tilespmem:s0], [sflag:$0x1] =	stream.indirect_vreg.gather [hbm4b:s12+s3], $0x80, v3, vm0, $0xb8;
	[tilespmem:$0x19100] =	vst v63  }
0xd1: {  	s0 =	simm.s32 $0xB480  }
0xd2: {  	[tilespmem:s0], [sflag:$0x1] =	stream.indirect_vreg.gather [hbm4b:s13+s3], $0x80, v3, vm0, $0xb8;
	[tilespmem:$0x19100] =	vst v63  }
0xd3: {  	s0 =	simm.s32 $0xBC80  }
0xd4: {  	[tilespmem:s0], [sflag:$0x1] =	stream.indirect_vreg.gather [hbm4b:s14+s3], $0x80, v3, vm0, $0xb8;
	[tilespmem:$0x19100] =	vst v63  }
0xd5: {  	s2 =	simm.s32 $0xC480  }
0xd6: {  	[tilespmem:s2], [sflag:$0x1] =	stream.indirect_vreg.gather [hbm4b:s15+s3], $0x80, v3, vm1, $0xb8;
	[tilespmem:$0x19100] =	vst v63  }
0xd7: {  	v3 =	vld [tilespmem:$0x30];
	_ =	sdelay $0x4  }
0xd8: {  	v59 =	vshrl.u32 v3, $0x3  }
0xd9: {  	v4 =	vmul.u32 $0xC8, v59  }
0xda: {  	v3 =	vand.u32 $0x7, v3  }
0xdb: {  	v3 =	vor.u32 v3, v4  }
0xdc: {  	v4 =	vperm.xlane v3, v0;
	_ =	sdelay $0x1  }
0xdd: {  	v4 =	vadd.s32 v1, v4;
	_ =	sdelay $0x3  }
0xde: {  	s2 =	simm.s32 $0xC880  }
0xdf: {  	[tilespmem:s2], [sflag:$0x1] =	stream.indirect_vreg.gather [hbm4b:s1+s3], $0x80, v4, vm0, $0xb8;
	[tilespmem:$0x19100] =	vst v63  }
0xe0: {  	s2 =	simm.s32 $0xD080  }
0xe1: {  	[tilespmem:s2], [sflag:$0x1] =	stream.indirect_vreg.gather [hbm4b:s4+s3], $0x80, v4, vm0, $0xb8;
	[tilespmem:$0x19100] =	vst v63  }
0xe2: {  	s2 =	simm.s32 $0xD880  }
0xe3: {  	[tilespmem:s2], [sflag:$0x1] =	stream.indirect_vreg.gather [hbm4b:s5+s3], $0x80, v4, vm0, $0xb8;
	[tilespmem:$0x19100] =	vst v63  }
0xe4: {  	s2 =	simm.s32 $0xE080  }
0xe5: {  	[tilespmem:s2], [sflag:$0x1] =	stream.indirect_vreg.gather [hbm4b:s6+s3], $0x80, v4, vm0, $0xb8;
	[tilespmem:$0x19100] =	vst v63  }
0xe6: {  	s2 =	simm.s32 $0xE880  }
0xe7: {  	[tilespmem:s2], [sflag:$0x1] =	stream.indirect_vreg.gather [hbm4b:s7+s3], $0x80, v4, vm0, $0xb8;
	[tilespmem:$0x19100] =	vst v63  }
0xe8: {  	s2 =	simm.s32 $0xF080  }
0xe9: {  	[tilespmem:s2], [sflag:$0x1] =	stream.indirect_vreg.gather [hbm4b:s8+s3], $0x80, v4, vm0, $0xb8;
	[tilespmem:$0x19100] =	vst v63  }
0xea: {  	s2 =	simm.s32 $0xF880  }
0xeb: {  	[tilespmem:s2], [sflag:$0x1] =	stream.indirect_vreg.gather [hbm4b:s9+s3], $0x80, v4, vm0, $0xb8;
	[tilespmem:$0x19100] =	vst v63  }
0xec: {  	s2 =	simm.s32 $0x10080  }
0xed: {  	[tilespmem:s2], [sflag:$0x1] =	stream.indirect_vreg.gather [hbm4b:s10+s3], $0x80, v4, vm0, $0xb8;
	[tilespmem:$0x19100] =	vst v63  }
0xee: {  	s2 =	simm.s32 $0x10880  }
0xef: {  	[tilespmem:s2], [sflag:$0x1] =	stream.indirect_vreg.gather [hbm4b:s11+s3], $0x80, v4, vm0, $0xb8;
	[tilespmem:$0x19100] =	vst v63  }
0xf0: {  	s19 =	simm.s32 $0x11080  }
0xf1: {  	[tilespmem:s19], [sflag:$0x1] =	stream.indirect_vreg.gather [hbm4b:s12+s3], $0x80, v4, vm0, $0xb8;
	[tilespmem:$0x19100] =	vst v63  }
0xf2: {  	s20 =	simm.s32 $0x11880;
	v3 =	vperm.xlane v3, v2  }
0xf3: {  	[tilespmem:s20], [sflag:$0x1] =	stream.indirect_vreg.gather [hbm4b:s13+s3], $0x80, v4, vm0, $0xb8;
	[tilespmem:$0x19100] =	vst v63  }
0xf4: {  	v3 =	vadd.s32 v1, v3;
	s19 =	simm.s32 $0x12080  }
0xf5: {  	[tilespmem:s19], [sflag:$0x1] =	stream.indirect_vreg.gather [hbm4b:s14+s3], $0x80, v4, vm0, $0xb8;
	[tilespmem:$0x19100] =	vst v63  }
0xf6: {  	s20 =	simm.s32 $0x12880  }
0xf7: {  	[tilespmem:s20], [sflag:$0x1] =	stream.indirect_vreg.gather [hbm4b:s15+s3], $0x80, v4, vm1, $0xb8;
	[tilespmem:$0x19100] =	vst v63  }
0xf8: {  	s2 =	simm.s32 $0x12C80  }
0xf9: {  	[tilespmem:s2], [sflag:$0x1] =	stream.indirect_vreg.gather [hbm4b:s1+s3], $0x80, v3, vm0, $0xb8;
	[tilespmem:$0x19100] =	vst v63  }
0xfa: {  	s19 =	simm.s32 $0x13480  }
0xfb: {  	[tilespmem:s19], [sflag:$0x1] =	stream.indirect_vreg.gather [hbm4b:s4+s3], $0x80, v3, vm0, $0xb8;
	[tilespmem:$0x19100] =	vst v63  }
0xfc: {  	s20 =	simm.s32 $0x13C80  }
0xfd: {  	[tilespmem:s20], [sflag:$0x1] =	stream.indirect_vreg.gather [hbm4b:s5+s3], $0x80, v3, vm0, $0xb8;
	[tilespmem:$0x19100] =	vst v63  }
0xfe: {  	s2 =	simm.s32 $0x14480  }
0xff: {  	[tilespmem:s2], [sflag:$0x1] =	stream.indirect_vreg.gather [hbm4b:s6+s3], $0x80, v3, vm0, $0xb8;
	[tilespmem:$0x19100] =	vst v63  }
0x100: {  	s19 =	simm.s32 $0x14C80  }
0x101: {  	[tilespmem:s19], [sflag:$0x1] =	stream.indirect_vreg.gather [hbm4b:s7+s3], $0x80, v3, vm0, $0xb8;
	[tilespmem:$0x19100] =	vst v63  }
0x102: {  	s20 =	simm.s32 $0x15480  }
0x103: {  	[tilespmem:s20], [sflag:$0x1] =	stream.indirect_vreg.gather [hbm4b:s8+s3], $0x80, v3, vm0, $0xb8;
	[tilespmem:$0x19100] =	vst v63  }
0x104: {  	s2 =	simm.s32 $0x15C80  }
0x105: {  	[tilespmem:s2], [sflag:$0x1] =	stream.indirect_vreg.gather [hbm4b:s9+s3], $0x80, v3, vm0, $0xb8;
	[tilespmem:$0x19100] =	vst v63  }
0x106: {  	s19 =	simm.s32 $0x16480  }
0x107: {  	[tilespmem:s19], [sflag:$0x1] =	stream.indirect_vreg.gather [hbm4b:s10+s3], $0x80, v3, vm0, $0xb8;
	[tilespmem:$0x19100] =	vst v63  }
0x108: {  	s20 =	simm.s32 $0x16C80  }
0x109: {  	[tilespmem:s20], [sflag:$0x1] =	stream.indirect_vreg.gather [hbm4b:s11+s3], $0x80, v3, vm0, $0xb8;
	[tilespmem:$0x19100] =	vst v63  }
0x10a: {  	s2 =	simm.s32 $0x17480  }
0x10b: {  	[tilespmem:s2], [sflag:$0x1] =	stream.indirect_vreg.gather [hbm4b:s12+s3], $0x80, v3, vm0, $0xb8;
	[tilespmem:$0x19100] =	vst v63  }
0x10c: {  	s19 =	simm.s32 $0x17C80  }
0x10d: {  	[tilespmem:s19], [sflag:$0x1] =	stream.indirect_vreg.gather [hbm4b:s13+s3], $0x80, v3, vm0, $0xb8;
	[tilespmem:$0x19100] =	vst v63  }
0x10e: {  	s20 =	simm.s32 $0x18480  }
0x10f: {  	[tilespmem:s20], [sflag:$0x1] =	stream.indirect_vreg.gather [hbm4b:s14+s3], $0x80, v3, vm0, $0xb8;
	[tilespmem:$0x19100] =	vst v63  }
0x110: {  	s21 =	simm.s32 $0x18C80  }
0x111: {  	[tilespmem:s21], [sflag:$0x1] =	stream.indirect_vreg.gather [hbm4b:s15+s3], $0x80, v3, vm1, $0xb8;
	[tilespmem:$0x19100] =	vst v63  }
0x112: {  	_ =	swait.ge [sflag:s31], $0x19000  }
0x113: {  	[sflag:s31] =	ssyncset.done $0x0  }
0x114: {  	s21 =	rddreg [dreg:$0x9];
	[sflag:s31] =	ssyncadd.s32 $0xFFFE7000  }
0x115: {  	[hbm4b:s21+s3] =	stream.linear.scatter [tilespmem:s18], [sflag:$0x3], $0x19000, $0x38;
	[tilespmem:$0x19100] =	vst v63  }
0x116: {  	_ =	swait.ge [sflag:s17], $0x19000  }
0x117: {  	[sflag:s17] =	ssyncset.done $0x0  }
0x118: {  	[sflag:s17] =	ssyncadd.s32 $0xFFFE7000  }
0x119: {  	v3 =	vld [tilespmem:$0x40];
	_ =	sdelay $0x4  }
0x11a: {  	v60 =	vshrl.u32 v3, $0x3  }
0x11b: {  	v4 =	vmul.u32 $0xC8, v60  }
0x11c: {  	v3 =	vand.u32 $0x7, v3  }
0x11d: {  	v3 =	vor.u32 v3, v4  }
0x11e: {  	v4 =	vperm.xlane v3, v0;
	_ =	sdelay $0x1  }
0x11f: {  	v4 =	vadd.s32 v1, v4;
	_ =	sdelay $0x4  }
0x120: {  	[tilespmem:s18], [sflag:$0x1] =	stream.indirect_vreg.gather [hbm4b:s1+s3], $0x80, v4, vm0, $0xb8;
	[tilespmem:$0x19100] =	vst v63  }
0x121: {  	s2 =	simm.s32 $0x880  }
0x122: {  	[tilespmem:s2], [sflag:$0x1] =	stream.indirect_vreg.gather [hbm4b:s4+s3], $0x80, v4, vm0, $0xb8;
	[tilespmem:$0x19100] =	vst v63  }
0x123: {  	s19 =	simm.s32 $0x1080  }
0x124: {  	[tilespmem:s19], [sflag:$0x1] =	stream.indirect_vreg.gather [hbm4b:s5+s3], $0x80, v4, vm0, $0xb8;
	[tilespmem:$0x19100] =	vst v63  }
0x125: {  	s20 =	simm.s32 $0x1880  }
0x126: {  	[tilespmem:s20], [sflag:$0x1] =	stream.indirect_vreg.gather [hbm4b:s6+s3], $0x80, v4, vm0, $0xb8;
	[tilespmem:$0x19100] =	vst v63  }
0x127: {  	s21 =	simm.s32 $0x2080  }
0x128: {  	[tilespmem:s21], [sflag:$0x1] =	stream.indirect_vreg.gather [hbm4b:s7+s3], $0x80, v4, vm0, $0xb8;
	[tilespmem:$0x19100] =	vst v63  }
0x129: {  	s2 =	simm.s32 $0x2880  }
0x12a: {  	[tilespmem:s2], [sflag:$0x1] =	stream.indirect_vreg.gather [hbm4b:s8+s3], $0x80, v4, vm0, $0xb8;
	[tilespmem:$0x19100] =	vst v63  }
0x12b: {  	s19 =	simm.s32 $0x3080  }
0x12c: {  	[tilespmem:s19], [sflag:$0x1] =	stream.indirect_vreg.gather [hbm4b:s9+s3], $0x80, v4, vm0, $0xb8;
	[tilespmem:$0x19100] =	vst v63  }
0x12d: {  	s20 =	simm.s32 $0x3880  }
0x12e: {  	[tilespmem:s20], [sflag:$0x1] =	stream.indirect_vreg.gather [hbm4b:s10+s3], $0x80, v4, vm0, $0xb8;
	[tilespmem:$0x19100] =	vst v63  }
0x12f: {  	s21 =	simm.s32 $0x4080  }
0x130: {  	[tilespmem:s21], [sflag:$0x1] =	stream.indirect_vreg.gather [hbm4b:s11+s3], $0x80, v4, vm0, $0xb8;
	[tilespmem:$0x19100] =	vst v63  }
0x131: {  	s2 =	simm.s32 $0x4880  }
0x132: {  	[tilespmem:s2], [sflag:$0x1] =	stream.indirect_vreg.gather [hbm4b:s12+s3], $0x80, v4, vm0, $0xb8;
	[tilespmem:$0x19100] =	vst v63  }
0x133: {  	v3 =	vperm.xlane v3, v2;
	s19 =	simm.s32 $0x5080  }
0x134: {  	[tilespmem:s19], [sflag:$0x1] =	stream.indirect_vreg.gather [hbm4b:s13+s3], $0x80, v4, vm0, $0xb8;
	[tilespmem:$0x19100] =	vst v63  }
0x135: {  	v3 =	vadd.s32 v1, v3;
	s20 =	simm.s32 $0x5880  }
0x136: {  	[tilespmem:s20], [sflag:$0x1] =	stream.indirect_vreg.gather [hbm4b:s14+s3], $0x80, v4, vm0, $0xb8;
	[tilespmem:$0x19100] =	vst v63  }
0x137: {  	s21 =	simm.s32 $0x6080  }
0x138: {  	[tilespmem:s21], [sflag:$0x1] =	stream.indirect_vreg.gather [hbm4b:s15+s3], $0x80, v4, vm1, $0xb8;
	[tilespmem:$0x19100] =	vst v63  }
0x139: {  	s22 =	simm.s32 $0x6480  }
0x13a: {  	[tilespmem:s22], [sflag:$0x1] =	stream.indirect_vreg.gather [hbm4b:s1+s3], $0x80, v3, vm0, $0xb8;
	[tilespmem:$0x19100] =	vst v63  }
0x13b: {  	s23 =	simm.s32 $0x6C80  }
0x13c: {  	[tilespmem:s23], [sflag:$0x1] =	stream.indirect_vreg.gather [hbm4b:s4+s3], $0x80, v3, vm0, $0xb8;
	[tilespmem:$0x19100] =	vst v63  }
0x13d: {  	s24 =	simm.s32 $0x7480  }
0x13e: {  	[tilespmem:s24], [sflag:$0x1] =	stream.indirect_vreg.gather [hbm4b:s5+s3], $0x80, v3, vm0, $0xb8;
	[tilespmem:$0x19100] =	vst v63  }
0x13f: {  	s25 =	simm.s32 $0x7C80  }
0x140: {  	[tilespmem:s25], [sflag:$0x1] =	stream.indirect_vreg.gather [hbm4b:s6+s3], $0x80, v3, vm0, $0xb8;
	[tilespmem:$0x19100] =	vst v63  }
0x141: {  	s26 =	simm.s32 $0x8480  }
0x142: {  	[tilespmem:s26], [sflag:$0x1] =	stream.indirect_vreg.gather [hbm4b:s7+s3], $0x80, v3, vm0, $0xb8;
	[tilespmem:$0x19100] =	vst v63  }
0x143: {  	s28 =	simm.s32 $0x8C80  }
0x144: {  	[tilespmem:s28], [sflag:$0x1] =	stream.indirect_vreg.gather [hbm4b:s8+s3], $0x80, v3, vm0, $0xb8;
	[tilespmem:$0x19100] =	vst v63  }
0x145: {  	s29 =	simm.s32 $0x9480  }
0x146: {  	[tilespmem:s29], [sflag:$0x1] =	stream.indirect_vreg.gather [hbm4b:s9+s3], $0x80, v3, vm0, $0xb8;
	[tilespmem:$0x19100] =	vst v63  }
0x147: {  	s30 =	simm.s32 $0x9C80  }
0x148: {  	[tilespmem:s30], [sflag:$0x1] =	stream.indirect_vreg.gather [hbm4b:s10+s3], $0x80, v3, vm0, $0xb8;
	[tilespmem:$0x19100] =	vst v63  }
0x149: {  	s30 =	simm.s32 $0xA480  }
0x14a: {  	[tilespmem:s30], [sflag:$0x1] =	stream.indirect_vreg.gather [hbm4b:s11+s3], $0x80, v3, vm0, $0xb8;
	[tilespmem:$0x19100] =	vst v63  }
0x14b: {  	s2 =	simm.s32 $0xAC80  }
0x14c: {  	[tilespmem:s2], [sflag:$0x1] =	stream.indirect_vreg.gather [hbm4b:s12+s3], $0x80, v3, vm0, $0xb8;
	[tilespmem:$0x19100] =	vst v63  }
0x14d: {  	s19 =	simm.s32 $0xB480  }
0x14e: {  	[tilespmem:s19], [sflag:$0x1] =	stream.indirect_vreg.gather [hbm4b:s13+s3], $0x80, v3, vm0, $0xb8;
	[tilespmem:$0x19100] =	vst v63  }
0x14f: {  	s20 =	simm.s32 $0xBC80  }
0x150: {  	[tilespmem:s20], [sflag:$0x1] =	stream.indirect_vreg.gather [hbm4b:s14+s3], $0x80, v3, vm0, $0xb8;
	[tilespmem:$0x19100] =	vst v63  }
0x151: {  	s0 =	simm.s32 $0xC480  }
0x152: {  	[tilespmem:s0], [sflag:$0x1] =	stream.indirect_vreg.gather [hbm4b:s15+s3], $0x80, v3, vm1, $0xb8;
	[tilespmem:$0x19100] =	vst v63  }
0x153: {  	v3 =	vld [tilespmem:$0x50];
	_ =	sdelay $0x4  }
0x154: {  	v61 =	vshrl.u32 v3, $0x3  }
0x155: {  	v4 =	vmul.u32 $0xC8, v61  }
0x156: {  	v3 =	vand.u32 $0x7, v3  }
0x157: {  	v3 =	vor.u32 v3, v4  }
0x158: {  	v4 =	vperm.xlane v3, v0;
	_ =	sdelay $0x1  }
0x159: {  	v4 =	vadd.s32 v1, v4;
	_ =	sdelay $0x3  }
0x15a: {  	s0 =	simm.s32 $0xC880  }
0x15b: {  	[tilespmem:s0], [sflag:$0x1] =	stream.indirect_vreg.gather [hbm4b:s1+s3], $0x80, v4, vm0, $0xb8;
	[tilespmem:$0x19100] =	vst v63  }
0x15c: {  	s0 =	simm.s32 $0xD080  }
0x15d: {  	[tilespmem:s0], [sflag:$0x1] =	stream.indirect_vreg.gather [hbm4b:s4+s3], $0x80, v4, vm0, $0xb8;
	[tilespmem:$0x19100] =	vst v63  }
0x15e: {  	s0 =	simm.s32 $0xD880  }
0x15f: {  	[tilespmem:s0], [sflag:$0x1] =	stream.indirect_vreg.gather [hbm4b:s5+s3], $0x80, v4, vm0, $0xb8;
	[tilespmem:$0x19100] =	vst v63  }
0x160: {  	s0 =	simm.s32 $0xE080  }
0x161: {  	[tilespmem:s0], [sflag:$0x1] =	stream.indirect_vreg.gather [hbm4b:s6+s3], $0x80, v4, vm0, $0xb8;
	[tilespmem:$0x19100] =	vst v63  }
0x162: {  	s0 =	simm.s32 $0xE880  }
0x163: {  	[tilespmem:s0], [sflag:$0x1] =	stream.indirect_vreg.gather [hbm4b:s7+s3], $0x80, v4, vm0, $0xb8;
	[tilespmem:$0x19100] =	vst v63  }
0x164: {  	s0 =	simm.s32 $0xF080  }
0x165: {  	[tilespmem:s0], [sflag:$0x1] =	stream.indirect_vreg.gather [hbm4b:s8+s3], $0x80, v4, vm0, $0xb8;
	[tilespmem:$0x19100] =	vst v63  }
0x166: {  	s0 =	simm.s32 $0xF880  }
0x167: {  	[tilespmem:s0], [sflag:$0x1] =	stream.indirect_vreg.gather [hbm4b:s9+s3], $0x80, v4, vm0, $0xb8;
	[tilespmem:$0x19100] =	vst v63  }
0x168: {  	s0 =	simm.s32 $0x10080  }
0x169: {  	[tilespmem:s0], [sflag:$0x1] =	stream.indirect_vreg.gather [hbm4b:s10+s3], $0x80, v4, vm0, $0xb8;
	[tilespmem:$0x19100] =	vst v63  }
0x16a: {  	s0 =	simm.s32 $0x10880  }
0x16b: {  	[tilespmem:s0], [sflag:$0x1] =	stream.indirect_vreg.gather [hbm4b:s11+s3], $0x80, v4, vm0, $0xb8;
	[tilespmem:$0x19100] =	vst v63  }
0x16c: {  	s0 =	simm.s32 $0x11080  }
0x16d: {  	[tilespmem:s0], [sflag:$0x1] =	stream.indirect_vreg.gather [hbm4b:s12+s3], $0x80, v4, vm0, $0xb8;
	[tilespmem:$0x19100] =	vst v63  }
0x16e: {  	v3 =	vperm.xlane v3, v2;
	s0 =	simm.s32 $0x11880  }
0x16f: {  	[tilespmem:s0], [sflag:$0x1] =	stream.indirect_vreg.gather [hbm4b:s13+s3], $0x80, v4, vm0, $0xb8;
	[tilespmem:$0x19100] =	vst v63  }
0x170: {  	v3 =	vadd.s32 v1, v3;
	s0 =	simm.s32 $0x12080  }
0x171: {  	[tilespmem:s0], [sflag:$0x1] =	stream.indirect_vreg.gather [hbm4b:s14+s3], $0x80, v4, vm0, $0xb8;
	[tilespmem:$0x19100] =	vst v63  }
0x172: {  	s0 =	simm.s32 $0x12880  }
0x173: {  	[tilespmem:s0], [sflag:$0x1] =	stream.indirect_vreg.gather [hbm4b:s15+s3], $0x80, v4, vm1, $0xb8;
	[tilespmem:$0x19100] =	vst v63  }
0x174: {  	s0 =	simm.s32 $0x12C80  }
0x175: {  	[tilespmem:s0], [sflag:$0x1] =	stream.indirect_vreg.gather [hbm4b:s1+s3], $0x80, v3, vm0, $0xb8;
	[tilespmem:$0x19100] =	vst v63  }
0x176: {  	s0 =	simm.s32 $0x13480  }
0x177: {  	[tilespmem:s0], [sflag:$0x1] =	stream.indirect_vreg.gather [hbm4b:s4+s3], $0x80, v3, vm0, $0xb8;
	[tilespmem:$0x19100] =	vst v63  }
0x178: {  	s0 =	simm.s32 $0x13C80  }
0x179: {  	[tilespmem:s0], [sflag:$0x1] =	stream.indirect_vreg.gather [hbm4b:s5+s3], $0x80, v3, vm0, $0xb8;
	[tilespmem:$0x19100] =	vst v63  }
0x17a: {  	s0 =	simm.s32 $0x14480  }
0x17b: {  	[tilespmem:s0], [sflag:$0x1] =	stream.indirect_vreg.gather [hbm4b:s6+s3], $0x80, v3, vm0, $0xb8;
	[tilespmem:$0x19100] =	vst v63  }
0x17c: {  	s0 =	simm.s32 $0x14C80  }
0x17d: {  	[tilespmem:s0], [sflag:$0x1] =	stream.indirect_vreg.gather [hbm4b:s7+s3], $0x80, v3, vm0, $0xb8;
	[tilespmem:$0x19100] =	vst v63  }
0x17e: {  	s0 =	simm.s32 $0x15480  }
0x17f: {  	[tilespmem:s0], [sflag:$0x1] =	stream.indirect_vreg.gather [hbm4b:s8+s3], $0x80, v3, vm0, $0xb8;
	[tilespmem:$0x19100] =	vst v63  }
0x180: {  	s0 =	simm.s32 $0x15C80  }
0x181: {  	[tilespmem:s0], [sflag:$0x1] =	stream.indirect_vreg.gather [hbm4b:s9+s3], $0x80, v3, vm0, $0xb8;
	[tilespmem:$0x19100] =	vst v63  }
0x182: {  	s0 =	simm.s32 $0x16480  }
0x183: {  	[tilespmem:s0], [sflag:$0x1] =	stream.indirect_vreg.gather [hbm4b:s10+s3], $0x80, v3, vm0, $0xb8;
	[tilespmem:$0x19100] =	vst v63  }
0x184: {  	s0 =	simm.s32 $0x16C80  }
0x185: {  	[tilespmem:s0], [sflag:$0x1] =	stream.indirect_vreg.gather [hbm4b:s11+s3], $0x80, v3, vm0, $0xb8;
	[tilespmem:$0x19100] =	vst v63  }
0x186: {  	s0 =	simm.s32 $0x17480  }
0x187: {  	[tilespmem:s0], [sflag:$0x1] =	stream.indirect_vreg.gather [hbm4b:s12+s3], $0x80, v3, vm0, $0xb8;
	[tilespmem:$0x19100] =	vst v63  }
0x188: {  	s0 =	simm.s32 $0x17C80  }
0x189: {  	[tilespmem:s0], [sflag:$0x1] =	stream.indirect_vreg.gather [hbm4b:s13+s3], $0x80, v3, vm0, $0xb8;
	[tilespmem:$0x19100] =	vst v63  }
0x18a: {  	s0 =	simm.s32 $0x18480  }
0x18b: {  	[tilespmem:s0], [sflag:$0x1] =	stream.indirect_vreg.gather [hbm4b:s14+s3], $0x80, v3, vm0, $0xb8;
	[tilespmem:$0x19100] =	vst v63  }
0x18c: {  	s0 =	simm.s32 $0x18C80  }
0x18d: {  	[tilespmem:s0], [sflag:$0x1] =	stream.indirect_vreg.gather [hbm4b:s15+s3], $0x80, v3, vm1, $0xb8;
	[tilespmem:$0x19100] =	vst v63  }
0x18e: {  	_ =	swait.ge [sflag:s31], $0x19000  }
0x18f: {  	[sflag:s31] =	ssyncset.done $0x0  }
0x190: {  	s0 =	rddreg [dreg:$0xa];
	[sflag:s31] =	ssyncadd.s32 $0xFFFE7000  }
0x191: {  	[hbm4b:s0+s3] =	stream.linear.scatter [tilespmem:s18], [sflag:$0x3], $0x19000, $0x38;
	[tilespmem:$0x19100] =	vst v63  }
0x192: {  	_ =	swait.ge [sflag:s17], $0x19000  }
0x193: {  	[sflag:s17] =	ssyncset.done $0x0  }
0x194: {  	[sflag:s17] =	ssyncadd.s32 $0xFFFE7000  }
0x195: {  	v3 =	vld [tilespmem:$0x60];
	_ =	sdelay $0x4  }
0x196: {  	v62 =	vshrl.u32 v3, $0x3  }
0x197: {  	v4 =	vmul.u32 $0xC8, v62  }
0x198: {  	v3 =	vand.u32 $0x7, v3  }
0x199: {  	v3 =	vor.u32 v3, v4  }
0x19a: {  	v4 =	vperm.xlane v3, v0;
	_ =	sdelay $0x1  }
0x19b: {  	v4 =	vadd.s32 v1, v4;
	_ =	sdelay $0x4  }
0x19c: {  	[tilespmem:s18], [sflag:$0x1] =	stream.indirect_vreg.gather [hbm4b:s1+s3], $0x80, v4, vm0, $0xb8;
	[tilespmem:$0x19100] =	vst v63  }
0x19d: {  	s0 =	simm.s32 $0x880  }
0x19e: {  	[tilespmem:s0], [sflag:$0x1] =	stream.indirect_vreg.gather [hbm4b:s4+s3], $0x80, v4, vm0, $0xb8;
	[tilespmem:$0x19100] =	vst v63  }
0x19f: {  	s0 =	simm.s32 $0x1080  }
0x1a0: {  	[tilespmem:s0], [sflag:$0x1] =	stream.indirect_vreg.gather [hbm4b:s5+s3], $0x80, v4, vm0, $0xb8;
	[tilespmem:$0x19100] =	vst v63  }
0x1a1: {  	s0 =	simm.s32 $0x1880  }
0x1a2: {  	[tilespmem:s0], [sflag:$0x1] =	stream.indirect_vreg.gather [hbm4b:s6+s3], $0x80, v4, vm0, $0xb8;
	[tilespmem:$0x19100] =	vst v63  }
0x1a3: {  	s0 =	simm.s32 $0x2080  }
0x1a4: {  	[tilespmem:s0], [sflag:$0x1] =	stream.indirect_vreg.gather [hbm4b:s7+s3], $0x80, v4, vm0, $0xb8;
	[tilespmem:$0x19100] =	vst v63  }
0x1a5: {  	s0 =	simm.s32 $0x2880  }
0x1a6: {  	[tilespmem:s0], [sflag:$0x1] =	stream.indirect_vreg.gather [hbm4b:s8+s3], $0x80, v4, vm0, $0xb8;
	[tilespmem:$0x19100] =	vst v63  }
0x1a7: {  	s0 =	simm.s32 $0x3080  }
0x1a8: {  	[tilespmem:s0], [sflag:$0x1] =	stream.indirect_vreg.gather [hbm4b:s9+s3], $0x80, v4, vm0, $0xb8;
	[tilespmem:$0x19100] =	vst v63  }
0x1a9: {  	s0 =	simm.s32 $0x3880  }
0x1aa: {  	[tilespmem:s0], [sflag:$0x1] =	stream.indirect_vreg.gather [hbm4b:s10+s3], $0x80, v4, vm0, $0xb8;
	[tilespmem:$0x19100] =	vst v63  }
0x1ab: {  	s0 =	simm.s32 $0x4080  }
0x1ac: {  	[tilespmem:s0], [sflag:$0x1] =	stream.indirect_vreg.gather [hbm4b:s11+s3], $0x80, v4, vm0, $0xb8;
	[tilespmem:$0x19100] =	vst v63  }
0x1ad: {  	s0 =	simm.s32 $0x4880  }
0x1ae: {  	[tilespmem:s0], [sflag:$0x1] =	stream.indirect_vreg.gather [hbm4b:s12+s3], $0x80, v4, vm0, $0xb8;
	[tilespmem:$0x19100] =	vst v63  }
0x1af: {  	v3 =	vperm.xlane v3, v2;
	s0 =	simm.s32 $0x5080  }
0x1b0: {  	[tilespmem:s0], [sflag:$0x1] =	stream.indirect_vreg.gather [hbm4b:s13+s3], $0x80, v4, vm0, $0xb8;
	[tilespmem:$0x19100] =	vst v63  }
0x1b1: {  	v3 =	vadd.s32 v1, v3;
	s0 =	simm.s32 $0x5880  }
0x1b2: {  	[tilespmem:s0], [sflag:$0x1] =	stream.indirect_vreg.gather [hbm4b:s14+s3], $0x80, v4, vm0, $0xb8;
	[tilespmem:$0x19100] =	vst v63  }
0x1b3: {  	s0 =	simm.s32 $0x6080  }
0x1b4: {  	[tilespmem:s0], [sflag:$0x1] =	stream.indirect_vreg.gather [hbm4b:s15+s3], $0x80, v4, vm1, $0xb8;
	[tilespmem:$0x19100] =	vst v63  }
0x1b5: {  	s21 =	simm.s32 $0x6480  }
0x1b6: {  	[tilespmem:s21], [sflag:$0x1] =	stream.indirect_vreg.gather [hbm4b:s1+s3], $0x80, v3, vm0, $0xb8;
	[tilespmem:$0x19100] =	vst v63  }
0x1b7: {  	s22 =	simm.s32 $0x6C80  }
0x1b8: {  	[tilespmem:s22], [sflag:$0x1] =	stream.indirect_vreg.gather [hbm4b:s4+s3], $0x80, v3, vm0, $0xb8;
	[tilespmem:$0x19100] =	vst v63  }
0x1b9: {  	s23 =	simm.s32 $0x7480  }
0x1ba: {  	[tilespmem:s23], [sflag:$0x1] =	stream.indirect_vreg.gather [hbm4b:s5+s3], $0x80, v3, vm0, $0xb8;
	[tilespmem:$0x19100] =	vst v63  }
0x1bb: {  	s24 =	simm.s32 $0x7C80  }
0x1bc: {  	[tilespmem:s24], [sflag:$0x1] =	stream.indirect_vreg.gather [hbm4b:s6+s3], $0x80, v3, vm0, $0xb8;
	[tilespmem:$0x19100] =	vst v63  }
0x1bd: {  	s25 =	simm.s32 $0x8480  }
0x1be: {  	[tilespmem:s25], [sflag:$0x1] =	stream.indirect_vreg.gather [hbm4b:s7+s3], $0x80, v3, vm0, $0xb8;
	[tilespmem:$0x19100] =	vst v63  }
0x1bf: {  	s26 =	simm.s32 $0x8C80  }
0x1c0: {  	[tilespmem:s26], [sflag:$0x1] =	stream.indirect_vreg.gather [hbm4b:s8+s3], $0x80, v3, vm0, $0xb8;
	[tilespmem:$0x19100] =	vst v63  }
0x1c1: {  	s28 =	simm.s32 $0x9480  }
0x1c2: {  	[tilespmem:s28], [sflag:$0x1] =	stream.indirect_vreg.gather [hbm4b:s9+s3], $0x80, v3, vm0, $0xb8;
	[tilespmem:$0x19100] =	vst v63  }
0x1c3: {  	s29 =	simm.s32 $0x9C80  }
0x1c4: {  	[tilespmem:s29], [sflag:$0x1] =	stream.indirect_vreg.gather [hbm4b:s10+s3], $0x80, v3, vm0, $0xb8;
	[tilespmem:$0x19100] =	vst v63  }
0x1c5: {  	s30 =	simm.s32 $0xA480  }
0x1c6: {  	[tilespmem:s30], [sflag:$0x1] =	stream.indirect_vreg.gather [hbm4b:s11+s3], $0x80, v3, vm0, $0xb8;
	[tilespmem:$0x19100] =	vst v63  }
0x1c7: {  	s2 =	simm.s32 $0xAC80  }
0x1c8: {  	[tilespmem:s2], [sflag:$0x1] =	stream.indirect_vreg.gather [hbm4b:s12+s3], $0x80, v3, vm0, $0xb8;
	[tilespmem:$0x19100] =	vst v63  }
0x1c9: {  	s19 =	simm.s32 $0xB480  }
0x1ca: {  	[tilespmem:s19], [sflag:$0x1] =	stream.indirect_vreg.gather [hbm4b:s13+s3], $0x80, v3, vm0, $0xb8;
	[tilespmem:$0x19100] =	vst v63  }
0x1cb: {  	s20 =	simm.s32 $0xBC80  }
0x1cc: {  	[tilespmem:s20], [sflag:$0x1] =	stream.indirect_vreg.gather [hbm4b:s14+s3], $0x80, v3, vm0, $0xb8;
	[tilespmem:$0x19100] =	vst v63  }
0x1cd: {  	s26 =	simm.s32 $0xC480  }
0x1ce: {  	[tilespmem:s26], [sflag:$0x1] =	stream.indirect_vreg.gather [hbm4b:s15+s3], $0x80, v3, vm1, $0xb8;
	[tilespmem:$0x19100] =	vst v63  }
0x1cf: {  	v3 =	vld [tilespmem:$0x70];
	_ =	sdelay $0x4  }
0x1d0: {  	v63 =	vshrl.u32 v3, $0x3  }
0x1d1: {  	v4 =	vmul.u32 $0xC8, v63  }
0x1d2: {  	v3 =	vand.u32 $0x7, v3  }
0x1d3: {  	v3 =	vor.u32 v3, v4  }
0x1d4: {  	v4 =	vperm.xlane v3, v0;
	_ =	sdelay $0x1  }
0x1d5: {  	v4 =	vadd.s32 v1, v4;
	_ =	sdelay $0x3  }
0x1d6: {  	s28 =	simm.s32 $0xC880  }
0x1d7: {  	[tilespmem:s28], [sflag:$0x1] =	stream.indirect_vreg.gather [hbm4b:s1+s3], $0x80, v4, vm0, $0xb8;
	[tilespmem:$0x19100] =	vst v63  }
0x1d8: {  	s29 =	simm.s32 $0xD080  }
0x1d9: {  	[tilespmem:s29], [sflag:$0x1] =	stream.indirect_vreg.gather [hbm4b:s4+s3], $0x80, v4, vm0, $0xb8;
	[tilespmem:$0x19100] =	vst v63  }
0x1da: {  	s30 =	simm.s32 $0xD880  }
0x1db: {  	[tilespmem:s30], [sflag:$0x1] =	stream.indirect_vreg.gather [hbm4b:s5+s3], $0x80, v4, vm0, $0xb8;
	[tilespmem:$0x19100] =	vst v63  }
0x1dc: {  	s2 =	simm.s32 $0xE080  }
0x1dd: {  	[tilespmem:s2], [sflag:$0x1] =	stream.indirect_vreg.gather [hbm4b:s6+s3], $0x80, v4, vm0, $0xb8;
	[tilespmem:$0x19100] =	vst v63  }
0x1de: {  	s19 =	simm.s32 $0xE880  }
0x1df: {  	[tilespmem:s19], [sflag:$0x1] =	stream.indirect_vreg.gather [hbm4b:s7+s3], $0x80, v4, vm0, $0xb8;
	[tilespmem:$0x19100] =	vst v63  }
0x1e0: {  	s20 =	simm.s32 $0xF080  }
0x1e1: {  	[tilespmem:s20], [sflag:$0x1] =	stream.indirect_vreg.gather [hbm4b:s8+s3], $0x80, v4, vm0, $0xb8;
	[tilespmem:$0x19100] =	vst v63  }
0x1e2: {  	s21 =	simm.s32 $0xF880  }
0x1e3: {  	[tilespmem:s21], [sflag:$0x1] =	stream.indirect_vreg.gather [hbm4b:s9+s3], $0x80, v4, vm0, $0xb8;
	[tilespmem:$0x19100] =	vst v63  }
0x1e4: {  	s22 =	simm.s32 $0x10080  }
0x1e5: {  	[tilespmem:s22], [sflag:$0x1] =	stream.indirect_vreg.gather [hbm4b:s10+s3], $0x80, v4, vm0, $0xb8;
	[tilespmem:$0x19100] =	vst v63  }
0x1e6: {  	s23 =	simm.s32 $0x10880  }
0x1e7: {  	[tilespmem:s23], [sflag:$0x1] =	stream.indirect_vreg.gather [hbm4b:s11+s3], $0x80, v4, vm0, $0xb8;
	[tilespmem:$0x19100] =	vst v63  }
0x1e8: {  	s24 =	simm.s32 $0x11080  }
0x1e9: {  	[tilespmem:s24], [sflag:$0x1] =	stream.indirect_vreg.gather [hbm4b:s12+s3], $0x80, v4, vm0, $0xb8;
	[tilespmem:$0x19100] =	vst v63  }
0x1ea: {  	s25 =	simm.s32 $0x11880;
	v3 =	vperm.xlane v3, v2  }
0x1eb: {  	[tilespmem:s25], [sflag:$0x1] =	stream.indirect_vreg.gather [hbm4b:s13+s3], $0x80, v4, vm0, $0xb8;
	[tilespmem:$0x19100] =	vst v63  }
0x1ec: {  	s26 =	simm.s32 $0x12080;
	v3 =	vadd.s32 v1, v3  }
0x1ed: {  	[tilespmem:s26], [sflag:$0x1] =	stream.indirect_vreg.gather [hbm4b:s14+s3], $0x80, v4, vm0, $0xb8;
	[tilespmem:$0x19100] =	vst v63  }
0x1ee: {  	s28 =	simm.s32 $0x12880  }
0x1ef: {  	[tilespmem:s28], [sflag:$0x1] =	stream.indirect_vreg.gather [hbm4b:s15+s3], $0x80, v4, vm1, $0xb8;
	[tilespmem:$0x19100] =	vst v63  }
0x1f0: {  	s29 =	simm.s32 $0x12C80  }
0x1f1: {  	[tilespmem:s29], [sflag:$0x1] =	stream.indirect_vreg.gather [hbm4b:s1+s3], $0x80, v3, vm0, $0xb8;
	[tilespmem:$0x19100] =	vst v63  }
0x1f2: {  	s30 =	simm.s32 $0x13480  }
0x1f3: {  	[tilespmem:s30], [sflag:$0x1] =	stream.indirect_vreg.gather [hbm4b:s4+s3], $0x80, v3, vm0, $0xb8;
	[tilespmem:$0x19100] =	vst v63  }
0x1f4: {  	s2 =	simm.s32 $0x13C80  }
0x1f5: {  	[tilespmem:s2], [sflag:$0x1] =	stream.indirect_vreg.gather [hbm4b:s5+s3], $0x80, v3, vm0, $0xb8;
	[tilespmem:$0x19100] =	vst v63  }
0x1f6: {  	s19 =	simm.s32 $0x14480  }
0x1f7: {  	[tilespmem:s19], [sflag:$0x1] =	stream.indirect_vreg.gather [hbm4b:s6+s3], $0x80, v3, vm0, $0xb8;
	[tilespmem:$0x19100] =	vst v63  }
0x1f8: {  	s20 =	simm.s32 $0x14C80  }
0x1f9: {  	[tilespmem:s20], [sflag:$0x1] =	stream.indirect_vreg.gather [hbm4b:s7+s3], $0x80, v3, vm0, $0xb8;
	[tilespmem:$0x19100] =	vst v63  }
0x1fa: {  	s21 =	simm.s32 $0x15480  }
0x1fb: {  	[tilespmem:s21], [sflag:$0x1] =	stream.indirect_vreg.gather [hbm4b:s8+s3], $0x80, v3, vm0, $0xb8;
	[tilespmem:$0x19100] =	vst v63  }
0x1fc: {  	s22 =	simm.s32 $0x15C80  }
0x1fd: {  	[tilespmem:s22], [sflag:$0x1] =	stream.indirect_vreg.gather [hbm4b:s9+s3], $0x80, v3, vm0, $0xb8;
	[tilespmem:$0x19100] =	vst v63  }
0x1fe: {  	s23 =	simm.s32 $0x16480  }
0x1ff: {  	[tilespmem:s23], [sflag:$0x1] =	stream.indirect_vreg.gather [hbm4b:s10+s3], $0x80, v3, vm0, $0xb8;
	[tilespmem:$0x19100] =	vst v63  }
0x200: {  	s24 =	simm.s32 $0x16C80  }
0x201: {  	[tilespmem:s24], [sflag:$0x1] =	stream.indirect_vreg.gather [hbm4b:s11+s3], $0x80, v3, vm0, $0xb8;
	[tilespmem:$0x19100] =	vst v63  }
0x202: {  	s25 =	simm.s32 $0x17480  }
0x203: {  	[tilespmem:s25], [sflag:$0x1] =	stream.indirect_vreg.gather [hbm4b:s12+s3], $0x80, v3, vm0, $0xb8;
	[tilespmem:$0x19100] =	vst v63  }
0x204: {  	s26 =	simm.s32 $0x17C80  }
0x205: {  	[tilespmem:s26], [sflag:$0x1] =	stream.indirect_vreg.gather [hbm4b:s13+s3], $0x80, v3, vm0, $0xb8;
	[tilespmem:$0x19100] =	vst v63  }
0x206: {  	s28 =	simm.s32 $0x18480  }
0x207: {  	[tilespmem:s28], [sflag:$0x1] =	stream.indirect_vreg.gather [hbm4b:s14+s3], $0x80, v3, vm0, $0xb8;
	[tilespmem:$0x19100] =	vst v63  }
0x208: {  	s29 =	simm.s32 $0x18C80  }
0x209: {  	[tilespmem:s29], [sflag:$0x1] =	stream.indirect_vreg.gather [hbm4b:s15+s3], $0x80, v3, vm1, $0xb8;
	[tilespmem:$0x19100] =	vst v63  }
0x20a: {  	_ =	swait.ge [sflag:s31], $0x19000  }
0x20b: {  	p0 =	sne.s32 s16, $0x1;
	[sflag:s31] =	ssyncset.done $0x0  }
.Ltmp0:
0x20c: {  	s30 =	rddreg [dreg:$0xb];
	[sflag:s31] =	ssyncadd.s32 $0xFFFE7000;
	(pc) =	sbr.rel @p0 .LBB2_1-.Ltmp0, $4  }
0x20d: {  	[hbm4b:s30+s3] =	stream.linear.scatter [tilespmem:s18], [sflag:$0x3], $0x19000, $0x38;
	[tilespmem:$0x19100] =	vst v63  }
0x20e: {  	_ =	swait.ge [sflag:s17], $0x19000  }
0x20f: {  	[sflag:s17] =	ssyncset.done $0x0  }
0x210: {  	s16 =	sadd.s32 $0xFFFFFFFF, s16;
	[sflag:s17] =	ssyncadd.s32 $0xFFFE7000  }
0x211: {  	_ =	sfence.sel $0x180000  }
0x212: {  	[bflag:$0x0] =	sbarrier.arrive $0xFFFF  }
0x213: {  	_ =	strace $0x90000047  }
0x214: {  	s0 =	stileid.u32;
	[bflag:$0x2] =	sbarrier.arrive $0xFFFF  }
0x215: {  	p0 =	sne.s32 s0, $0x0;
	s0 =	rddreg [dreg:$0x4]  }
0x216: {  	s0 =	sadd.s32 @!p0 $0x100000, s0  }
0x217: {  	[sflag:s0] =	ssyncadd.tile.s32 @!p0 $0x1;
	_ =	shalt  }
.Lfunc_end2:
_tile_overlayer_lowered:
.L_overlay_start_2:
0x218: {  	(tag) =	ssettag $0x2  }
0x219: {  	s0 =	rddreg [dreg:$0x0];
	s2 =	stileid.u32  }
0x21a: {  	s1 =	rddreg [dreg:$0x1];
	p0 =	sne.s32 s2, $0x0  }
0x21b: {  	s3 =	rddreg [dreg:$0x2];
	[bflag:$0x3] =	sbarrier.arrive $0xFFFF;
	s2 =	simm.s32 @!p0 $0x1C03  }
0x21c: {  	[timem:s3], [sflag:s2] =	dma.local @!p0 [hbm:s0], s1  }
0x21d: {  	s0 =	simm.s32 @!p0 $0x3  }
0x21e: {  	_ =	swait.ge @!p0 [sflag:s0], s1  }
0x21f: {  	s1 =	ssub.s32 @!p0 $0x0, s1;
	[sflag:s0] =	ssyncset.done @!p0 $0x0  }
0x220: {  	[sflag:s0] =	ssyncadd.s32 @!p0 s1  }
0x221: {  	[bflag:$0x3] =	sbarrier.arrive $0xFFFF  }
0x222: {  	_ =	shalt  }

</sc_bundles>
